<compile_context>
chip_gen: v7x
topology: tpu7x:2x2x1
jax: 0.10.2.dev20260603
libtpu: 0.0.44.dev20260713+nightly
codegen_flags: <defaults>
</compile_context>

<pallas_src>
import functools

import jax
import jax.numpy as jnp
from jax import lax
from jax.experimental import pallas as pl
from jax.experimental.pallas import tpu as pltpu
from jax.experimental.pallas import tpu_sc as plsc

D_MODEL = 64
D_WIDE = 128
SCALE = 8.0
NUM_CORES = 2
NUM_SUBCORES = 16
LANES = 16
NUM_WORKERS = NUM_CORES * NUM_SUBCORES
NBUF = 4


def _embed_lookup(idx, table_wide, n_rows, n_cols):
    rows_per_w = n_rows // NUM_WORKERS
    n_tok = rows_per_w * n_cols
    assert n_rows % NUM_WORKERS == 0 and rows_per_w % NBUF == 0

    mesh = plsc.VectorSubcoreMesh(core_axis_name="c", subcore_axis_name="s")

    @functools.partial(
        pl.kernel,
        mesh=mesh,
        out_type=jax.ShapeDtypeStruct((n_rows, n_cols, D_WIDE), jnp.float32),
        scratch_types=[
            pltpu.VMEM((n_tok,), jnp.int32),
        ]
        + [pltpu.VMEM((n_cols, D_WIDE), jnp.float32)] * NBUF
        + [pltpu.SemaphoreType.DMA] * (2 * NBUF + 1),
    )
    def k(idx_hbm, table_hbm, out_hbm, idx_v, *bufs_and_sems):
        bufs = bufs_and_sems[:NBUF]
        gsem = bufs_and_sems[NBUF : 2 * NBUF]
        ssem = bufs_and_sems[2 * NBUF : 3 * NBUF]
        isem = bufs_and_sems[3 * NBUF]

        wid = lax.axis_index("s") * NUM_CORES + lax.axis_index("c")
        row0 = wid * rows_per_w
        pltpu.make_async_copy(
            idx_hbm.at[pl.ds(row0 * n_cols, n_tok)], idx_v, isem
        ).start()
        pltpu.make_async_copy(
            idx_hbm.at[pl.ds(row0 * n_cols, n_tok)], idx_v, isem
        ).wait()

        def gather_src(r):
            return table_hbm.at[idx_v.at[pl.ds(r * n_cols, n_cols)]]

        def out_dst(r):
            return out_hbm.at[row0 + r]

        for b in range(NBUF):
            pltpu.async_copy(gather_src(b), bufs[b], gsem[b])

        @pl.loop(0, rows_per_w, step=NBUF)
        def _(w):
            for b in range(NBUF):
                wb = w + b
                pltpu.make_async_copy(gather_src(wb), bufs[b], gsem[b]).wait()

                @pl.loop(0, n_cols)
                def _(r):
                    for c in range(0, D_MODEL, LANES):
                        slc = (pl.ds(r, 1), pl.ds(c, LANES))
                        bufs[b].at[slc][...] = bufs[b].at[slc][...] * SCALE

                pltpu.async_copy(bufs[b], out_dst(wb), ssem[b])

            for b in range(NBUF):
                wb = w + b
                pltpu.make_async_copy(bufs[b], out_dst(wb), ssem[b]).wait()

                @pl.when(wb + NBUF < rows_per_w)
                def _():
                    pltpu.async_copy(gather_src(wb + NBUF), bufs[b], gsem[b])

    return k(idx, table_wide)


def kernel(x, table):
    n_rows, n_cols = x.shape
    table_wide = jnp.pad(table, ((0, 0), (0, D_WIDE - D_MODEL)))
    idx = x.reshape(n_rows * n_cols).astype(jnp.int32)
    out_wide = _embed_lookup(idx, table_wide, n_rows, n_cols)
    return out_wide[:, :, :D_MODEL]

# --- scband reference (transcript-rebuilt; emitter-appended) ---
"""Pipeline reference for scband-token-embedding-48996986912817 (READ-ONLY COPY).

The authoritative reference and input builder live on the scoring server;
editing this copy changes nothing except your own understanding.
"""

import jax, jax.numpy as jnp
import numpy as np
import math

VOCAB = 1000000
D_MODEL = 64

def setup_inputs(seed: int = 0) -> dict:
    key = jax.random.key(seed)
    k1, k2 = jax.random.split(key)
    x = jax.random.randint(k1, (4096, 200), 0, VOCAB, dtype=jnp.int64 if jax.config.jax_enable_x64 else jnp.int32)
    table = jax.random.normal(k2, (VOCAB, D_MODEL), dtype=jnp.float32)
    return {"x": x, "table": table}

def reference(x, table):
    scale = math.sqrt(D_MODEL)
    emb = jnp.take(table, x, axis=0)
    return emb * scale

if __name__ == "__main__":
    import jax
    _d = setup_inputs()
    print(jax.jit(kernel)(*tuple(_d.values())))

</pallas_src>

<mosaic_0001>
#map = affine_map<(d0, d1) -> (0)>
#map1 = affine_map<(d0, d1) -> (0, 0)>
#map2 = affine_map<(d0, d1) -> (0, 0, 0)>
module attributes {stable_mosaic.version = 14 : i64} {
  func.func @k(%arg0: i32, %arg1: i32, %arg2: memref<819200xi32, #tpu.memory_space<hbm>>, %arg3: memref<1000000x128xf32, #tpu.memory_space<hbm>>, %arg4: memref<4096x200x128xf32, #tpu.memory_space<hbm>>, %arg5: memref<25600xi32, #tpu.memory_space<vmem>>, %arg6: memref<200x128xf32, #tpu.memory_space<vmem>>, %arg7: memref<200x128xf32, #tpu.memory_space<vmem>>, %arg8: memref<200x128xf32, #tpu.memory_space<vmem>>, %arg9: memref<200x128xf32, #tpu.memory_space<vmem>>, %arg10: memref<!tpu.dma_semaphore, #tpu.memory_space<semaphore_mem>>, %arg11: memref<!tpu.dma_semaphore, #tpu.memory_space<semaphore_mem>>, %arg12: memref<!tpu.dma_semaphore, #tpu.memory_space<semaphore_mem>>, %arg13: memref<!tpu.dma_semaphore, #tpu.memory_space<semaphore_mem>>, %arg14: memref<!tpu.dma_semaphore, #tpu.memory_space<semaphore_mem>>, %arg15: memref<!tpu.dma_semaphore, #tpu.memory_space<semaphore_mem>>, %arg16: memref<!tpu.dma_semaphore, #tpu.memory_space<semaphore_mem>>, %arg17: memref<!tpu.dma_semaphore, #tpu.memory_space<semaphore_mem>>, %arg18: memref<!tpu.dma_semaphore, #tpu.memory_space<semaphore_mem>>) attributes {dimension_semantics = [#tpu.dimension_semantics<core_parallel>, #tpu.dimension_semantics<subcore_parallel>], iteration_bounds = array<i64: 2, 16>, scalar_prefetch = 0 : i64, scratch_operands = 14 : i64, tpu.core_type = #tpu.core_type<sc_vector_subcore>, window_params = [{transform_indices = #map}, {transform_indices = #map1}, {transform_indices = #map2}]} {
    %mul3A = arith.constant 2 : i32
    %mul3A_0 = arith.muli %arg1, %mul3A : i32
    %add3A = arith.addi %mul3A_0, %arg0 : i32
    %mul3A_1 = arith.constant 128 : i32
    %mul3A_2 = arith.muli %add3A, %mul3A_1 : i32
    %mul3A_3 = arith.constant 200 : i32
    %mul3A_4 = arith.muli %mul3A_2, %mul3A_3 : i32
    %dma_start3A = tpu.memref_slice %arg2[%mul3A_4] : memref<819200xi32, #tpu.memory_space<hbm>> -> memref<25600xi32, #tpu.memory_space<hbm>>
    %dma_start3A_5 = tpu.memref_slice %arg2[%mul3A_4] : memref<819200xi32, #tpu.memory_space<hbm>> -> memref<25600xi32, #tpu.memory_space<hbm>>
    tpu.enqueue_dma source(%dma_start3A_5 : memref<25600xi32, #tpu.memory_space<hbm>>) target(%arg5 : memref<25600xi32, #tpu.memory_space<vmem>>) target_semaphore(%arg18 : memref<!tpu.dma_semaphore, #tpu.memory_space<semaphore_mem>>)
    %mul3A_6 = arith.constant 200 : i32
    %mul3A_7 = arith.muli %mul3A_2, %mul3A_6 : i32
    %dma_wait3A = tpu.memref_slice %arg2[%mul3A_7] : memref<819200xi32, #tpu.memory_space<hbm>> -> memref<25600xi32, #tpu.memory_space<hbm>>
    %dma_wait3A_8 = tpu.memref_slice %arg2[%mul3A_7] : memref<819200xi32, #tpu.memory_space<hbm>> -> memref<25600xi32, #tpu.memory_space<hbm>>
    tpu.wait_dma2 semaphore(%arg18 : memref<!tpu.dma_semaphore, #tpu.memory_space<semaphore_mem>>) src(%dma_wait3A_8 : memref<25600xi32, #tpu.memory_space<hbm>>) dst(%arg5 : memref<25600xi32, #tpu.memory_space<vmem>>)
    %dma_start3A_9 = arith.constant 0 : i32
    %dma_start3A_10 = tpu.memref_slice %arg5[%dma_start3A_9] : memref<25600xi32, #tpu.memory_space<vmem>> -> memref<200xi32, #tpu.memory_space<vmem>>
    %dma_start3A_11 = arith.constant 0 : i32
    %dma_start3A_12 = arith.constant 0 : i32
    %dma_start3A_13 = tpu.memref_slice %arg3[%dma_start3A_11, %dma_start3A_12] : memref<1000000x128xf32, #tpu.memory_space<hbm>> -> memref<1000000x128xf32, #tpu.memory_space<hbm>>
    tpu.enqueue_indirect_dma source(%dma_start3A_13 : memref<1000000x128xf32, #tpu.memory_space<hbm>>) target(%arg6 : memref<200x128xf32, #tpu.memory_space<vmem>>) offsets(%dma_start3A_10 : memref<200xi32, #tpu.memory_space<vmem>>) semaphore(%arg10 : memref<!tpu.dma_semaphore, #tpu.memory_space<semaphore_mem>>)
    %dma_start3A_14 = arith.constant 200 : i32
    %dma_start3A_15 = tpu.memref_slice %arg5[%dma_start3A_14] : memref<25600xi32, #tpu.memory_space<vmem>> -> memref<200xi32, #tpu.memory_space<vmem>>
    %dma_start3A_16 = arith.constant 0 : i32
    %dma_start3A_17 = arith.constant 0 : i32
    %dma_start3A_18 = tpu.memref_slice %arg3[%dma_start3A_16, %dma_start3A_17] : memref<1000000x128xf32, #tpu.memory_space<hbm>> -> memref<1000000x128xf32, #tpu.memory_space<hbm>>
    tpu.enqueue_indirect_dma source(%dma_start3A_18 : memref<1000000x128xf32, #tpu.memory_space<hbm>>) target(%arg7 : memref<200x128xf32, #tpu.memory_space<vmem>>) offsets(%dma_start3A_15 : memref<200xi32, #tpu.memory_space<vmem>>) semaphore(%arg11 : memref<!tpu.dma_semaphore, #tpu.memory_space<semaphore_mem>>)
    %dma_start3A_19 = arith.constant 400 : i32
    %dma_start3A_20 = tpu.memref_slice %arg5[%dma_start3A_19] : memref<25600xi32, #tpu.memory_space<vmem>> -> memref<200xi32, #tpu.memory_space<vmem>>
    %dma_start3A_21 = arith.constant 0 : i32
    %dma_start3A_22 = arith.constant 0 : i32
    %dma_start3A_23 = tpu.memref_slice %arg3[%dma_start3A_21, %dma_start3A_22] : memref<1000000x128xf32, #tpu.memory_space<hbm>> -> memref<1000000x128xf32, #tpu.memory_space<hbm>>
    tpu.enqueue_indirect_dma source(%dma_start3A_23 : memref<1000000x128xf32, #tpu.memory_space<hbm>>) target(%arg8 : memref<200x128xf32, #tpu.memory_space<vmem>>) offsets(%dma_start3A_20 : memref<200xi32, #tpu.memory_space<vmem>>) semaphore(%arg12 : memref<!tpu.dma_semaphore, #tpu.memory_space<semaphore_mem>>)
    %dma_start3A_24 = arith.constant 600 : i32
    %dma_start3A_25 = tpu.memref_slice %arg5[%dma_start3A_24] : memref<25600xi32, #tpu.memory_space<vmem>> -> memref<200xi32, #tpu.memory_space<vmem>>
    %dma_start3A_26 = arith.constant 0 : i32
    %dma_start3A_27 = arith.constant 0 : i32
    %dma_start3A_28 = tpu.memref_slice %arg3[%dma_start3A_26, %dma_start3A_27] : memref<1000000x128xf32, #tpu.memory_space<hbm>> -> memref<1000000x128xf32, #tpu.memory_space<hbm>>
    tpu.enqueue_indirect_dma source(%dma_start3A_28 : memref<1000000x128xf32, #tpu.memory_space<hbm>>) target(%arg9 : memref<200x128xf32, #tpu.memory_space<vmem>>) offsets(%dma_start3A_25 : memref<200xi32, #tpu.memory_space<vmem>>) semaphore(%arg13 : memref<!tpu.dma_semaphore, #tpu.memory_space<semaphore_mem>>)
    %scan3A = arith.constant 0 : i32
    %scan3A_29 = arith.constant 32 : i32
    %scan3A_30 = arith.addi %scan3A, %scan3A_29 : i32
    %scan3A_31 = arith.constant 1 : i32
    scf.for %scan3A_33 = %scan3A to %scan3A_30 step %scan3A_31  : i32 {
      %mul3A_34 = arith.constant 4 : i32
      %mul3A_35 = arith.muli %scan3A_33, %mul3A_34 : i32
      %add3A_36 = arith.constant 0 : i32
      %add3A_37 = arith.addi %add3A_36, %mul3A_35 : i32
      %add3A_38 = arith.constant 0 : i32
      %add3A_39 = arith.addi %add3A_37, %add3A_38 : i32
      %mul3A_40 = arith.constant 200 : i32
      %mul3A_41 = arith.muli %add3A_39, %mul3A_40 : i32
      %dma_wait3A_42 = tpu.memref_slice %arg5[%mul3A_41] : memref<25600xi32, #tpu.memory_space<vmem>> -> memref<200xi32, #tpu.memory_space<vmem>>
      %dma_wait3A_43 = arith.constant 0 : i32
      %dma_wait3A_44 = arith.constant 0 : i32
      %dma_wait3A_45 = tpu.memref_slice %arg3[%dma_wait3A_43, %dma_wait3A_44] : memref<1000000x128xf32, #tpu.memory_space<hbm>> -> memref<1000000x128xf32, #tpu.memory_space<hbm>>
      tpu.wait_indirect_dma semaphore(%arg10 : memref<!tpu.dma_semaphore, #tpu.memory_space<semaphore_mem>>) src(%dma_wait3A_45 : memref<1000000x128xf32, #tpu.memory_space<hbm>>) dst(%arg6 : memref<200x128xf32, #tpu.memory_space<vmem>>)
      %scan3A_46 = arith.constant 0 : i32
      %scan3A_47 = arith.constant 200 : i32
      %scan3A_48 = arith.addi %scan3A_46, %scan3A_47 : i32
      %scan3A_49 = arith.constant 1 : i32
      scf.for %scan3A_195 = %scan3A_46 to %scan3A_48 step %scan3A_49  : i32 {
        %mul3A_196 = arith.constant 1 : i32
        %mul3A_197 = arith.muli %scan3A_195, %mul3A_196 : i32
        %add3A_198 = arith.constant 0 : i32
        %add3A_199 = arith.addi %add3A_198, %mul3A_197 : i32
        %get3A = arith.index_cast %add3A_199 : i32 to index
        %get3A_200 = arith.constant 0 : index
        %get3A_201 = tpu.vector_load %arg6[%get3A, %get3A_200] {strides = array<i32>} : memref<200x128xf32, #tpu.memory_space<vmem>>, vector<1x16xf32>,
        %get3A_202 = vector.shape_cast %get3A_201 : vector<1x16xf32> to vector<1x16xf32>
        %mul3A_203 = arith.constant 8.000000e+00 : f32
        %mul3A_204 = vector.broadcast %mul3A_203 : f32 to vector<1x16xf32>
        %mul3A_205 = arith.mulf %get3A_202, %mul3A_204 : vector<1x16xf32>
        %swap3A = arith.index_cast %add3A_199 : i32 to index
        %swap3A_206 = arith.constant 0 : index
        %swap3A_207 = tpu.vector_load %arg6[%swap3A, %swap3A_206] {strides = array<i32>} : memref<200x128xf32, #tpu.memory_space<vmem>>, vector<1x16xf32>,
        %swap3A_208 = vector.shape_cast %swap3A_207 : vector<1x16xf32> to vector<1x16xf32>
        %swap3A_209 = vector.shape_cast %mul3A_205 : vector<1x16xf32> to vector<1x16xf32>
        tpu.vector_store %arg6[%swap3A, %swap3A_206], %swap3A_209 {strides = array<i32>} : memref<200x128xf32, #tpu.memory_space<vmem>>, vector<1x16xf32>,
        %get3A_210 = arith.index_cast %add3A_199 : i32 to index
        %get3A_211 = arith.constant 16 : index
        %get3A_212 = tpu.vector_load %arg6[%get3A_210, %get3A_211] {strides = array<i32>} : memref<200x128xf32, #tpu.memory_space<vmem>>, vector<1x16xf32>,
        %get3A_213 = vector.shape_cast %get3A_212 : vector<1x16xf32> to vector<1x16xf32>
        %mul3A_214 = arith.constant 8.000000e+00 : f32
        %mul3A_215 = vector.broadcast %mul3A_214 : f32 to vector<1x16xf32>
        %mul3A_216 = arith.mulf %get3A_213, %mul3A_215 : vector<1x16xf32>
        %swap3A_217 = arith.index_cast %add3A_199 : i32 to index
        %swap3A_218 = arith.constant 16 : index
        %swap3A_219 = tpu.vector_load %arg6[%swap3A_217, %swap3A_218] {strides = array<i32>} : memref<200x128xf32, #tpu.memory_space<vmem>>, vector<1x16xf32>,
        %swap3A_220 = vector.shape_cast %swap3A_219 : vector<1x16xf32> to vector<1x16xf32>
        %swap3A_221 = vector.shape_cast %mul3A_216 : vector<1x16xf32> to vector<1x16xf32>
        tpu.vector_store %arg6[%swap3A_217, %swap3A_218], %swap3A_221 {strides = array<i32>} : memref<200x128xf32, #tpu.memory_space<vmem>>, vector<1x16xf32>,
        %get3A_222 = arith.index_cast %add3A_199 : i32 to index
        %get3A_223 = arith.constant 32 : index
        %get3A_224 = tpu.vector_load %arg6[%get3A_222, %get3A_223] {strides = array<i32>} : memref<200x128xf32, #tpu.memory_space<vmem>>, vector<1x16xf32>,
        %get3A_225 = vector.shape_cast %get3A_224 : vector<1x16xf32> to vector<1x16xf32>
        %mul3A_226 = arith.constant 8.000000e+00 : f32
        %mul3A_227 = vector.broadcast %mul3A_226 : f32 to vector<1x16xf32>
        %mul3A_228 = arith.mulf %get3A_225, %mul3A_227 : vector<1x16xf32>
        %swap3A_229 = arith.index_cast %add3A_199 : i32 to index
        %swap3A_230 = arith.constant 32 : index
        %swap3A_231 = tpu.vector_load %arg6[%swap3A_229, %swap3A_230] {strides = array<i32>} : memref<200x128xf32, #tpu.memory_space<vmem>>, vector<1x16xf32>,
        %swap3A_232 = vector.shape_cast %swap3A_231 : vector<1x16xf32> to vector<1x16xf32>
        %swap3A_233 = vector.shape_cast %mul3A_228 : vector<1x16xf32> to vector<1x16xf32>
        tpu.vector_store %arg6[%swap3A_229, %swap3A_230], %swap3A_233 {strides = array<i32>} : memref<200x128xf32, #tpu.memory_space<vmem>>, vector<1x16xf32>,
        %get3A_234 = arith.index_cast %add3A_199 : i32 to index
        %get3A_235 = arith.constant 48 : index
        %get3A_236 = tpu.vector_load %arg6[%get3A_234, %get3A_235] {strides = array<i32>} : memref<200x128xf32, #tpu.memory_space<vmem>>, vector<1x16xf32>,
        %get3A_237 = vector.shape_cast %get3A_236 : vector<1x16xf32> to vector<1x16xf32>
        %mul3A_238 = arith.constant 8.000000e+00 : f32
        %mul3A_239 = vector.broadcast %mul3A_238 : f32 to vector<1x16xf32>
        %mul3A_240 = arith.mulf %get3A_237, %mul3A_239 : vector<1x16xf32>
        %swap3A_241 = arith.index_cast %add3A_199 : i32 to index
        %swap3A_242 = arith.constant 48 : index
        %swap3A_243 = tpu.vector_load %arg6[%swap3A_241, %swap3A_242] {strides = array<i32>} : memref<200x128xf32, #tpu.memory_space<vmem>>, vector<1x16xf32>,
        %swap3A_244 = vector.shape_cast %swap3A_243 : vector<1x16xf32> to vector<1x16xf32>
        %swap3A_245 = vector.shape_cast %mul3A_240 : vector<1x16xf32> to vector<1x16xf32>
        tpu.vector_store %arg6[%swap3A_241, %swap3A_242], %swap3A_245 {strides = array<i32>} : memref<200x128xf32, #tpu.memory_space<vmem>>, vector<1x16xf32>,
      }
      %scan3A_50 = arith.constant 200 : i32
      %add3A_51 = arith.addi %mul3A_2, %add3A_39 : i32
      %dma_start3A_52 = arith.constant 0 : i32
      %dma_start3A_53 = arith.constant 0 : i32
      %dma_start3A_54 = tpu.memref_slice %arg4[%add3A_51, %dma_start3A_52, %dma_start3A_53] : memref<4096x200x128xf32, #tpu.memory_space<hbm>> -> memref<1x200x128xf32, #tpu.memory_space<hbm>>
      %dma_start3A_55 = tpu.memref_squeeze %dma_start3A_54 : memref<1x200x128xf32, #tpu.memory_space<hbm>> -> memref<200x128xf32, #tpu.memory_space<hbm>>
      %dma_start3A_56 = arith.constant 0 : i32
      %dma_start3A_57 = arith.constant 0 : i32
      %dma_start3A_58 = tpu.memref_slice %arg4[%add3A_51, %dma_start3A_56, %dma_start3A_57] : memref<4096x200x128xf32, #tpu.memory_space<hbm>> -> memref<1x200x128xf32, #tpu.memory_space<hbm>>
      %dma_start3A_59 = tpu.memref_squeeze %dma_start3A_58 : memref<1x200x128xf32, #tpu.memory_space<hbm>> -> memref<200x128xf32, #tpu.memory_space<hbm>>
      tpu.enqueue_dma source(%arg6 : memref<200x128xf32, #tpu.memory_space<vmem>>) target(%dma_start3A_59 : memref<200x128xf32, #tpu.memory_space<hbm>>) target_semaphore(%arg14 : memref<!tpu.dma_semaphore, #tpu.memory_space<semaphore_mem>>)
      %add3A_60 = arith.constant 1 : i32
      %add3A_61 = arith.addi %add3A_37, %add3A_60 : i32
      %mul3A_62 = arith.constant 200 : i32
      %mul3A_63 = arith.muli %add3A_61, %mul3A_62 : i32
      %dma_wait3A_64 = tpu.memref_slice %arg5[%mul3A_63] : memref<25600xi32, #tpu.memory_space<vmem>> -> memref<200xi32, #tpu.memory_space<vmem>>
      %dma_wait3A_65 = arith.constant 0 : i32
      %dma_wait3A_66 = arith.constant 0 : i32
      %dma_wait3A_67 = tpu.memref_slice %arg3[%dma_wait3A_65, %dma_wait3A_66] : memref<1000000x128xf32, #tpu.memory_space<hbm>> -> memref<1000000x128xf32, #tpu.memory_space<hbm>>
      tpu.wait_indirect_dma semaphore(%arg11 : memref<!tpu.dma_semaphore, #tpu.memory_space<semaphore_mem>>) src(%dma_wait3A_67 : memref<1000000x128xf32, #tpu.memory_space<hbm>>) dst(%arg7 : memref<200x128xf32, #tpu.memory_space<vmem>>)
      %scan3A_68 = arith.constant 0 : i32
      %scan3A_69 = arith.constant 200 : i32
      %scan3A_70 = arith.addi %scan3A_68, %scan3A_69 : i32
      %scan3A_71 = arith.constant 1 : i32
      scf.for %scan3A_195 = %scan3A_68 to %scan3A_70 step %scan3A_71  : i32 {
        %mul3A_196 = arith.constant 1 : i32
        %mul3A_197 = arith.muli %scan3A_195, %mul3A_196 : i32
        %add3A_198 = arith.constant 0 : i32
        %add3A_199 = arith.addi %add3A_198, %mul3A_197 : i32
        %get3A = arith.index_cast %add3A_199 : i32 to index
        %get3A_200 = arith.constant 0 : index
        %get3A_201 = tpu.vector_load %arg7[%get3A, %get3A_200] {strides = array<i32>} : memref<200x128xf32, #tpu.memory_space<vmem>>, vector<1x16xf32>,
        %get3A_202 = vector.shape_cast %get3A_201 : vector<1x16xf32> to vector<1x16xf32>
        %mul3A_203 = arith.constant 8.000000e+00 : f32
        %mul3A_204 = vector.broadcast %mul3A_203 : f32 to vector<1x16xf32>
        %mul3A_205 = arith.mulf %get3A_202, %mul3A_204 : vector<1x16xf32>
        %swap3A = arith.index_cast %add3A_199 : i32 to index
        %swap3A_206 = arith.constant 0 : index
        %swap3A_207 = tpu.vector_load %arg7[%swap3A, %swap3A_206] {strides = array<i32>} : memref<200x128xf32, #tpu.memory_space<vmem>>, vector<1x16xf32>,
        %swap3A_208 = vector.shape_cast %swap3A_207 : vector<1x16xf32> to vector<1x16xf32>
        %swap3A_209 = vector.shape_cast %mul3A_205 : vector<1x16xf32> to vector<1x16xf32>
        tpu.vector_store %arg7[%swap3A, %swap3A_206], %swap3A_209 {strides = array<i32>} : memref<200x128xf32, #tpu.memory_space<vmem>>, vector<1x16xf32>,
        %get3A_210 = arith.index_cast %add3A_199 : i32 to index
        %get3A_211 = arith.constant 16 : index
        %get3A_212 = tpu.vector_load %arg7[%get3A_210, %get3A_211] {strides = array<i32>} : memref<200x128xf32, #tpu.memory_space<vmem>>, vector<1x16xf32>,
        %get3A_213 = vector.shape_cast %get3A_212 : vector<1x16xf32> to vector<1x16xf32>
        %mul3A_214 = arith.constant 8.000000e+00 : f32
        %mul3A_215 = vector.broadcast %mul3A_214 : f32 to vector<1x16xf32>
        %mul3A_216 = arith.mulf %get3A_213, %mul3A_215 : vector<1x16xf32>
        %swap3A_217 = arith.index_cast %add3A_199 : i32 to index
        %swap3A_218 = arith.constant 16 : index
        %swap3A_219 = tpu.vector_load %arg7[%swap3A_217, %swap3A_218] {strides = array<i32>} : memref<200x128xf32, #tpu.memory_space<vmem>>, vector<1x16xf32>,
        %swap3A_220 = vector.shape_cast %swap3A_219 : vector<1x16xf32> to vector<1x16xf32>
        %swap3A_221 = vector.shape_cast %mul3A_216 : vector<1x16xf32> to vector<1x16xf32>
        tpu.vector_store %arg7[%swap3A_217, %swap3A_218], %swap3A_221 {strides = array<i32>} : memref<200x128xf32, #tpu.memory_space<vmem>>, vector<1x16xf32>,
        %get3A_222 = arith.index_cast %add3A_199 : i32 to index
        %get3A_223 = arith.constant 32 : index
        %get3A_224 = tpu.vector_load %arg7[%get3A_222, %get3A_223] {strides = array<i32>} : memref<200x128xf32, #tpu.memory_space<vmem>>, vector<1x16xf32>,
        %get3A_225 = vector.shape_cast %get3A_224 : vector<1x16xf32> to vector<1x16xf32>
        %mul3A_226 = arith.constant 8.000000e+00 : f32
        %mul3A_227 = vector.broadcast %mul3A_226 : f32 to vector<1x16xf32>
        %mul3A_228 = arith.mulf %get3A_225, %mul3A_227 : vector<1x16xf32>
        %swap3A_229 = arith.index_cast %add3A_199 : i32 to index
        %swap3A_230 = arith.constant 32 : index
        %swap3A_231 = tpu.vector_load %arg7[%swap3A_229, %swap3A_230] {strides = array<i32>} : memref<200x128xf32, #tpu.memory_space<vmem>>, vector<1x16xf32>,
        %swap3A_232 = vector.shape_cast %swap3A_231 : vector<1x16xf32> to vector<1x16xf32>
        %swap3A_233 = vector.shape_cast %mul3A_228 : vector<1x16xf32> to vector<1x16xf32>
        tpu.vector_store %arg7[%swap3A_229, %swap3A_230], %swap3A_233 {strides = array<i32>} : memref<200x128xf32, #tpu.memory_space<vmem>>, vector<1x16xf32>,
        %get3A_234 = arith.index_cast %add3A_199 : i32 to index
        %get3A_235 = arith.constant 48 : index
        %get3A_236 = tpu.vector_load %arg7[%get3A_234, %get3A_235] {strides = array<i32>} : memref<200x128xf32, #tpu.memory_space<vmem>>, vector<1x16xf32>,
        %get3A_237 = vector.shape_cast %get3A_236 : vector<1x16xf32> to vector<1x16xf32>
        %mul3A_238 = arith.constant 8.000000e+00 : f32
        %mul3A_239 = vector.broadcast %mul3A_238 : f32 to vector<1x16xf32>
        %mul3A_240 = arith.mulf %get3A_237, %mul3A_239 : vector<1x16xf32>
        %swap3A_241 = arith.index_cast %add3A_199 : i32 to index
        %swap3A_242 = arith.constant 48 : index
        %swap3A_243 = tpu.vector_load %arg7[%swap3A_241, %swap3A_242] {strides = array<i32>} : memref<200x128xf32, #tpu.memory_space<vmem>>, vector<1x16xf32>,
        %swap3A_244 = vector.shape_cast %swap3A_243 : vector<1x16xf32> to vector<1x16xf32>
        %swap3A_245 = vector.shape_cast %mul3A_240 : vector<1x16xf32> to vector<1x16xf32>
        tpu.vector_store %arg7[%swap3A_241, %swap3A_242], %swap3A_245 {strides = array<i32>} : memref<200x128xf32, #tpu.memory_space<vmem>>, vector<1x16xf32>,
      }
      %scan3A_72 = arith.constant 200 : i32
      %add3A_73 = arith.addi %mul3A_2, %add3A_61 : i32
      %dma_start3A_74 = arith.constant 0 : i32
      %dma_start3A_75 = arith.constant 0 : i32
      %dma_start3A_76 = tpu.memref_slice %arg4[%add3A_73, %dma_start3A_74, %dma_start3A_75] : memref<4096x200x128xf32, #tpu.memory_space<hbm>> -> memref<1x200x128xf32, #tpu.memory_space<hbm>>
      %dma_start3A_77 = tpu.memref_squeeze %dma_start3A_76 : memref<1x200x128xf32, #tpu.memory_space<hbm>> -> memref<200x128xf32, #tpu.memory_space<hbm>>
      %dma_start3A_78 = arith.constant 0 : i32
      %dma_start3A_79 = arith.constant 0 : i32
      %dma_start3A_80 = tpu.memref_slice %arg4[%add3A_73, %dma_start3A_78, %dma_start3A_79] : memref<4096x200x128xf32, #tpu.memory_space<hbm>> -> memref<1x200x128xf32, #tpu.memory_space<hbm>>
      %dma_start3A_81 = tpu.memref_squeeze %dma_start3A_80 : memref<1x200x128xf32, #tpu.memory_space<hbm>> -> memref<200x128xf32, #tpu.memory_space<hbm>>
      tpu.enqueue_dma source(%arg7 : memref<200x128xf32, #tpu.memory_space<vmem>>) target(%dma_start3A_81 : memref<200x128xf32, #tpu.memory_space<hbm>>) target_semaphore(%arg15 : memref<!tpu.dma_semaphore, #tpu.memory_space<semaphore_mem>>)
      %add3A_82 = arith.constant 2 : i32
      %add3A_83 = arith.addi %add3A_37, %add3A_82 : i32
      %mul3A_84 = arith.constant 200 : i32
      %mul3A_85 = arith.muli %add3A_83, %mul3A_84 : i32
      %dma_wait3A_86 = tpu.memref_slice %arg5[%mul3A_85] : memref<25600xi32, #tpu.memory_space<vmem>> -> memref<200xi32, #tpu.memory_space<vmem>>
      %dma_wait3A_87 = arith.constant 0 : i32
      %dma_wait3A_88 = arith.constant 0 : i32
      %dma_wait3A_89 = tpu.memref_slice %arg3[%dma_wait3A_87, %dma_wait3A_88] : memref<1000000x128xf32, #tpu.memory_space<hbm>> -> memref<1000000x128xf32, #tpu.memory_space<hbm>>
      tpu.wait_indirect_dma semaphore(%arg12 : memref<!tpu.dma_semaphore, #tpu.memory_space<semaphore_mem>>) src(%dma_wait3A_89 : memref<1000000x128xf32, #tpu.memory_space<hbm>>) dst(%arg8 : memref<200x128xf32, #tpu.memory_space<vmem>>)
      %scan3A_90 = arith.constant 0 : i32
      %scan3A_91 = arith.constant 200 : i32
      %scan3A_92 = arith.addi %scan3A_90, %scan3A_91 : i32
      %scan3A_93 = arith.constant 1 : i32
      scf.for %scan3A_195 = %scan3A_90 to %scan3A_92 step %scan3A_93  : i32 {
        %mul3A_196 = arith.constant 1 : i32
        %mul3A_197 = arith.muli %scan3A_195, %mul3A_196 : i32
        %add3A_198 = arith.constant 0 : i32
        %add3A_199 = arith.addi %add3A_198, %mul3A_197 : i32
        %get3A = arith.index_cast %add3A_199 : i32 to index
        %get3A_200 = arith.constant 0 : index
        %get3A_201 = tpu.vector_load %arg8[%get3A, %get3A_200] {strides = array<i32>} : memref<200x128xf32, #tpu.memory_space<vmem>>, vector<1x16xf32>,
        %get3A_202 = vector.shape_cast %get3A_201 : vector<1x16xf32> to vector<1x16xf32>
        %mul3A_203 = arith.constant 8.000000e+00 : f32
        %mul3A_204 = vector.broadcast %mul3A_203 : f32 to vector<1x16xf32>
        %mul3A_205 = arith.mulf %get3A_202, %mul3A_204 : vector<1x16xf32>
        %swap3A = arith.index_cast %add3A_199 : i32 to index
        %swap3A_206 = arith.constant 0 : index
        %swap3A_207 = tpu.vector_load %arg8[%swap3A, %swap3A_206] {strides = array<i32>} : memref<200x128xf32, #tpu.memory_space<vmem>>, vector<1x16xf32>,
        %swap3A_208 = vector.shape_cast %swap3A_207 : vector<1x16xf32> to vector<1x16xf32>
        %swap3A_209 = vector.shape_cast %mul3A_205 : vector<1x16xf32> to vector<1x16xf32>
        tpu.vector_store %arg8[%swap3A, %swap3A_206], %swap3A_209 {strides = array<i32>} : memref<200x128xf32, #tpu.memory_space<vmem>>, vector<1x16xf32>,
        %get3A_210 = arith.index_cast %add3A_199 : i32 to index
        %get3A_211 = arith.constant 16 : index
        %get3A_212 = tpu.vector_load %arg8[%get3A_210, %get3A_211] {strides = array<i32>} : memref<200x128xf32, #tpu.memory_space<vmem>>, vector<1x16xf32>,
        %get3A_213 = vector.shape_cast %get3A_212 : vector<1x16xf32> to vector<1x16xf32>
        %mul3A_214 = arith.constant 8.000000e+00 : f32
        %mul3A_215 = vector.broadcast %mul3A_214 : f32 to vector<1x16xf32>
        %mul3A_216 = arith.mulf %get3A_213, %mul3A_215 : vector<1x16xf32>
        %swap3A_217 = arith.index_cast %add3A_199 : i32 to index
        %swap3A_218 = arith.constant 16 : index
        %swap3A_219 = tpu.vector_load %arg8[%swap3A_217, %swap3A_218] {strides = array<i32>} : memref<200x128xf32, #tpu.memory_space<vmem>>, vector<1x16xf32>,
        %swap3A_220 = vector.shape_cast %swap3A_219 : vector<1x16xf32> to vector<1x16xf32>
        %swap3A_221 = vector.shape_cast %mul3A_216 : vector<1x16xf32> to vector<1x16xf32>
        tpu.vector_store %arg8[%swap3A_217, %swap3A_218], %swap3A_221 {strides = array<i32>} : memref<200x128xf32, #tpu.memory_space<vmem>>, vector<1x16xf32>,
        %get3A_222 = arith.index_cast %add3A_199 : i32 to index
        %get3A_223 = arith.constant 32 : index
        %get3A_224 = tpu.vector_load %arg8[%get3A_222, %get3A_223] {strides = array<i32>} : memref<200x128xf32, #tpu.memory_space<vmem>>, vector<1x16xf32>,
        %get3A_225 = vector.shape_cast %get3A_224 : vector<1x16xf32> to vector<1x16xf32>
        %mul3A_226 = arith.constant 8.000000e+00 : f32
        %mul3A_227 = vector.broadcast %mul3A_226 : f32 to vector<1x16xf32>
        %mul3A_228 = arith.mulf %get3A_225, %mul3A_227 : vector<1x16xf32>
        %swap3A_229 = arith.index_cast %add3A_199 : i32 to index
        %swap3A_230 = arith.constant 32 : index
        %swap3A_231 = tpu.vector_load %arg8[%swap3A_229, %swap3A_230] {strides = array<i32>} : memref<200x128xf32, #tpu.memory_space<vmem>>, vector<1x16xf32>,
        %swap3A_232 = vector.shape_cast %swap3A_231 : vector<1x16xf32> to vector<1x16xf32>
        %swap3A_233 = vector.shape_cast %mul3A_228 : vector<1x16xf32> to vector<1x16xf32>
        tpu.vector_store %arg8[%swap3A_229, %swap3A_230], %swap3A_233 {strides = array<i32>} : memref<200x128xf32, #tpu.memory_space<vmem>>, vector<1x16xf32>,
        %get3A_234 = arith.index_cast %add3A_199 : i32 to index
        %get3A_235 = arith.constant 48 : index
        %get3A_236 = tpu.vector_load %arg8[%get3A_234, %get3A_235] {strides = array<i32>} : memref<200x128xf32, #tpu.memory_space<vmem>>, vector<1x16xf32>,
        %get3A_237 = vector.shape_cast %get3A_236 : vector<1x16xf32> to vector<1x16xf32>
        %mul3A_238 = arith.constant 8.000000e+00 : f32
        %mul3A_239 = vector.broadcast %mul3A_238 : f32 to vector<1x16xf32>
        %mul3A_240 = arith.mulf %get3A_237, %mul3A_239 : vector<1x16xf32>
        %swap3A_241 = arith.index_cast %add3A_199 : i32 to index
        %swap3A_242 = arith.constant 48 : index
        %swap3A_243 = tpu.vector_load %arg8[%swap3A_241, %swap3A_242] {strides = array<i32>} : memref<200x128xf32, #tpu.memory_space<vmem>>, vector<1x16xf32>,
        %swap3A_244 = vector.shape_cast %swap3A_243 : vector<1x16xf32> to vector<1x16xf32>
        %swap3A_245 = vector.shape_cast %mul3A_240 : vector<1x16xf32> to vector<1x16xf32>
        tpu.vector_store %arg8[%swap3A_241, %swap3A_242], %swap3A_245 {strides = array<i32>} : memref<200x128xf32, #tpu.memory_space<vmem>>, vector<1x16xf32>,
      }
      %scan3A_94 = arith.constant 200 : i32
      %add3A_95 = arith.addi %mul3A_2, %add3A_83 : i32
      %dma_start3A_96 = arith.constant 0 : i32
      %dma_start3A_97 = arith.constant 0 : i32
      %dma_start3A_98 = tpu.memref_slice %arg4[%add3A_95, %dma_start3A_96, %dma_start3A_97] : memref<4096x200x128xf32, #tpu.memory_space<hbm>> -> memref<1x200x128xf32, #tpu.memory_space<hbm>>
      %dma_start3A_99 = tpu.memref_squeeze %dma_start3A_98 : memref<1x200x128xf32, #tpu.memory_space<hbm>> -> memref<200x128xf32, #tpu.memory_space<hbm>>
      %dma_start3A_100 = arith.constant 0 : i32
      %dma_start3A_101 = arith.constant 0 : i32
      %dma_start3A_102 = tpu.memref_slice %arg4[%add3A_95, %dma_start3A_100, %dma_start3A_101] : memref<4096x200x128xf32, #tpu.memory_space<hbm>> -> memref<1x200x128xf32, #tpu.memory_space<hbm>>
      %dma_start3A_103 = tpu.memref_squeeze %dma_start3A_102 : memref<1x200x128xf32, #tpu.memory_space<hbm>> -> memref<200x128xf32, #tpu.memory_space<hbm>>
      tpu.enqueue_dma source(%arg8 : memref<200x128xf32, #tpu.memory_space<vmem>>) target(%dma_start3A_103 : memref<200x128xf32, #tpu.memory_space<hbm>>) target_semaphore(%arg16 : memref<!tpu.dma_semaphore, #tpu.memory_space<semaphore_mem>>)
      %add3A_104 = arith.constant 3 : i32
      %add3A_105 = arith.addi %add3A_37, %add3A_104 : i32
      %mul3A_106 = arith.constant 200 : i32
      %mul3A_107 = arith.muli %add3A_105, %mul3A_106 : i32
      %dma_wait3A_108 = tpu.memref_slice %arg5[%mul3A_107] : memref<25600xi32, #tpu.memory_space<vmem>> -> memref<200xi32, #tpu.memory_space<vmem>>
      %dma_wait3A_109 = arith.constant 0 : i32
      %dma_wait3A_110 = arith.constant 0 : i32
      %dma_wait3A_111 = tpu.memref_slice %arg3[%dma_wait3A_109, %dma_wait3A_110] : memref<1000000x128xf32, #tpu.memory_space<hbm>> -> memref<1000000x128xf32, #tpu.memory_space<hbm>>
      tpu.wait_indirect_dma semaphore(%arg13 : memref<!tpu.dma_semaphore, #tpu.memory_space<semaphore_mem>>) src(%dma_wait3A_111 : memref<1000000x128xf32, #tpu.memory_space<hbm>>) dst(%arg9 : memref<200x128xf32, #tpu.memory_space<vmem>>)
      %scan3A_112 = arith.constant 0 : i32
      %scan3A_113 = arith.constant 200 : i32
      %scan3A_114 = arith.addi %scan3A_112, %scan3A_113 : i32
      %scan3A_115 = arith.constant 1 : i32
      scf.for %scan3A_195 = %scan3A_112 to %scan3A_114 step %scan3A_115  : i32 {
        %mul3A_196 = arith.constant 1 : i32
        %mul3A_197 = arith.muli %scan3A_195, %mul3A_196 : i32
        %add3A_198 = arith.constant 0 : i32
        %add3A_199 = arith.addi %add3A_198, %mul3A_197 : i32
        %get3A = arith.index_cast %add3A_199 : i32 to index
        %get3A_200 = arith.constant 0 : index
        %get3A_201 = tpu.vector_load %arg9[%get3A, %get3A_200] {strides = array<i32>} : memref<200x128xf32, #tpu.memory_space<vmem>>, vector<1x16xf32>,
        %get3A_202 = vector.shape_cast %get3A_201 : vector<1x16xf32> to vector<1x16xf32>
        %mul3A_203 = arith.constant 8.000000e+00 : f32
        %mul3A_204 = vector.broadcast %mul3A_203 : f32 to vector<1x16xf32>
        %mul3A_205 = arith.mulf %get3A_202, %mul3A_204 : vector<1x16xf32>
        %swap3A = arith.index_cast %add3A_199 : i32 to index
        %swap3A_206 = arith.constant 0 : index
        %swap3A_207 = tpu.vector_load %arg9[%swap3A, %swap3A_206] {strides = array<i32>} : memref<200x128xf32, #tpu.memory_space<vmem>>, vector<1x16xf32>,
        %swap3A_208 = vector.shape_cast %swap3A_207 : vector<1x16xf32> to vector<1x16xf32>
        %swap3A_209 = vector.shape_cast %mul3A_205 : vector<1x16xf32> to vector<1x16xf32>
        tpu.vector_store %arg9[%swap3A, %swap3A_206], %swap3A_209 {strides = array<i32>} : memref<200x128xf32, #tpu.memory_space<vmem>>, vector<1x16xf32>,
        %get3A_210 = arith.index_cast %add3A_199 : i32 to index
        %get3A_211 = arith.constant 16 : index
        %get3A_212 = tpu.vector_load %arg9[%get3A_210, %get3A_211] {strides = array<i32>} : memref<200x128xf32, #tpu.memory_space<vmem>>, vector<1x16xf32>,
        %get3A_213 = vector.shape_cast %get3A_212 : vector<1x16xf32> to vector<1x16xf32>
        %mul3A_214 = arith.constant 8.000000e+00 : f32
        %mul3A_215 = vector.broadcast %mul3A_214 : f32 to vector<1x16xf32>
        %mul3A_216 = arith.mulf %get3A_213, %mul3A_215 : vector<1x16xf32>
        %swap3A_217 = arith.index_cast %add3A_199 : i32 to index
        %swap3A_218 = arith.constant 16 : index
        %swap3A_219 = tpu.vector_load %arg9[%swap3A_217, %swap3A_218] {strides = array<i32>} : memref<200x128xf32, #tpu.memory_space<vmem>>, vector<1x16xf32>,
        %swap3A_220 = vector.shape_cast %swap3A_219 : vector<1x16xf32> to vector<1x16xf32>
        %swap3A_221 = vector.shape_cast %mul3A_216 : vector<1x16xf32> to vector<1x16xf32>
        tpu.vector_store %arg9[%swap3A_217, %swap3A_218], %swap3A_221 {strides = array<i32>} : memref<200x128xf32, #tpu.memory_space<vmem>>, vector<1x16xf32>,
        %get3A_222 = arith.index_cast %add3A_199 : i32 to index
        %get3A_223 = arith.constant 32 : index
        %get3A_224 = tpu.vector_load %arg9[%get3A_222, %get3A_223] {strides = array<i32>} : memref<200x128xf32, #tpu.memory_space<vmem>>, vector<1x16xf32>,
        %get3A_225 = vector.shape_cast %get3A_224 : vector<1x16xf32> to vector<1x16xf32>
        %mul3A_226 = arith.constant 8.000000e+00 : f32
        %mul3A_227 = vector.broadcast %mul3A_226 : f32 to vector<1x16xf32>
        %mul3A_228 = arith.mulf %get3A_225, %mul3A_227 : vector<1x16xf32>
        %swap3A_229 = arith.index_cast %add3A_199 : i32 to index
        %swap3A_230 = arith.constant 32 : index
        %swap3A_231 = tpu.vector_load %arg9[%swap3A_229, %swap3A_230] {strides = array<i32>} : memref<200x128xf32, #tpu.memory_space<vmem>>, vector<1x16xf32>,
        %swap3A_232 = vector.shape_cast %swap3A_231 : vector<1x16xf32> to vector<1x16xf32>
        %swap3A_233 = vector.shape_cast %mul3A_228 : vector<1x16xf32> to vector<1x16xf32>
        tpu.vector_store %arg9[%swap3A_229, %swap3A_230], %swap3A_233 {strides = array<i32>} : memref<200x128xf32, #tpu.memory_space<vmem>>, vector<1x16xf32>,
        %get3A_234 = arith.index_cast %add3A_199 : i32 to index
        %get3A_235 = arith.constant 48 : index
        %get3A_236 = tpu.vector_load %arg9[%get3A_234, %get3A_235] {strides = array<i32>} : memref<200x128xf32, #tpu.memory_space<vmem>>, vector<1x16xf32>,
        %get3A_237 = vector.shape_cast %get3A_236 : vector<1x16xf32> to vector<1x16xf32>
        %mul3A_238 = arith.constant 8.000000e+00 : f32
        %mul3A_239 = vector.broadcast %mul3A_238 : f32 to vector<1x16xf32>
        %mul3A_240 = arith.mulf %get3A_237, %mul3A_239 : vector<1x16xf32>
        %swap3A_241 = arith.index_cast %add3A_199 : i32 to index
        %swap3A_242 = arith.constant 48 : index
        %swap3A_243 = tpu.vector_load %arg9[%swap3A_241, %swap3A_242] {strides = array<i32>} : memref<200x128xf32, #tpu.memory_space<vmem>>, vector<1x16xf32>,
        %swap3A_244 = vector.shape_cast %swap3A_243 : vector<1x16xf32> to vector<1x16xf32>
        %swap3A_245 = vector.shape_cast %mul3A_240 : vector<1x16xf32> to vector<1x16xf32>
        tpu.vector_store %arg9[%swap3A_241, %swap3A_242], %swap3A_245 {strides = array<i32>} : memref<200x128xf32, #tpu.memory_space<vmem>>, vector<1x16xf32>,
      }
      %scan3A_116 = arith.constant 200 : i32
      %add3A_117 = arith.addi %mul3A_2, %add3A_105 : i32
      %dma_start3A_118 = arith.constant 0 : i32
      %dma_start3A_119 = arith.constant 0 : i32
      %dma_start3A_120 = tpu.memref_slice %arg4[%add3A_117, %dma_start3A_118, %dma_start3A_119] : memref<4096x200x128xf32, #tpu.memory_space<hbm>> -> memref<1x200x128xf32, #tpu.memory_space<hbm>>
      %dma_start3A_121 = tpu.memref_squeeze %dma_start3A_120 : memref<1x200x128xf32, #tpu.memory_space<hbm>> -> memref<200x128xf32, #tpu.memory_space<hbm>>
      %dma_start3A_122 = arith.constant 0 : i32
      %dma_start3A_123 = arith.constant 0 : i32
      %dma_start3A_124 = tpu.memref_slice %arg4[%add3A_117, %dma_start3A_122, %dma_start3A_123] : memref<4096x200x128xf32, #tpu.memory_space<hbm>> -> memref<1x200x128xf32, #tpu.memory_space<hbm>>
      %dma_start3A_125 = tpu.memref_squeeze %dma_start3A_124 : memref<1x200x128xf32, #tpu.memory_space<hbm>> -> memref<200x128xf32, #tpu.memory_space<hbm>>
      tpu.enqueue_dma source(%arg9 : memref<200x128xf32, #tpu.memory_space<vmem>>) target(%dma_start3A_125 : memref<200x128xf32, #tpu.memory_space<hbm>>) target_semaphore(%arg17 : memref<!tpu.dma_semaphore, #tpu.memory_space<semaphore_mem>>)
      %add3A_126 = arith.constant 0 : i32
      %add3A_127 = arith.addi %add3A_37, %add3A_126 : i32
      %add3A_128 = arith.addi %mul3A_2, %add3A_127 : i32
      %dma_wait3A_129 = arith.constant 0 : i32
      %dma_wait3A_130 = arith.constant 0 : i32
      %dma_wait3A_131 = tpu.memref_slice %arg4[%add3A_128, %dma_wait3A_129, %dma_wait3A_130] : memref<4096x200x128xf32, #tpu.memory_space<hbm>> -> memref<1x200x128xf32, #tpu.memory_space<hbm>>
      %dma_wait3A_132 = tpu.memref_squeeze %dma_wait3A_131 : memref<1x200x128xf32, #tpu.memory_space<hbm>> -> memref<200x128xf32, #tpu.memory_space<hbm>>
      %dma_wait3A_133 = arith.constant 0 : i32
      %dma_wait3A_134 = arith.constant 0 : i32
      %dma_wait3A_135 = tpu.memref_slice %arg4[%add3A_128, %dma_wait3A_133, %dma_wait3A_134] : memref<4096x200x128xf32, #tpu.memory_space<hbm>> -> memref<1x200x128xf32, #tpu.memory_space<hbm>>
      %dma_wait3A_136 = tpu.memref_squeeze %dma_wait3A_135 : memref<1x200x128xf32, #tpu.memory_space<hbm>> -> memref<200x128xf32, #tpu.memory_space<hbm>>
      tpu.wait_dma2 semaphore(%arg14 : memref<!tpu.dma_semaphore, #tpu.memory_space<semaphore_mem>>) src(%arg6 : memref<200x128xf32, #tpu.memory_space<vmem>>) dst(%dma_wait3A_136 : memref<200x128xf32, #tpu.memory_space<hbm>>)
      %add3A_137 = arith.constant 4 : i32
      %add3A_138 = arith.addi %add3A_127, %add3A_137 : i32
      %lt3A = arith.constant 128 : i32
      %lt3A_139 = arith.cmpi slt, %add3A_138, %lt3A : i32
      %convert_element_type3A = arith.extui %lt3A_139 : i1 to i32
      %cond3A = arith.constant 0 : i32
      %cond3A_140 = arith.cmpi ne, %convert_element_type3A, %cond3A : i32
      scf.if %cond3A_140 {
        %add3A_195 = arith.constant 4 : i32
        %add3A_196 = arith.addi %add3A_127, %add3A_195 : i32
        %mul3A_197 = arith.constant 200 : i32
        %mul3A_198 = arith.muli %add3A_196, %mul3A_197 : i32
        %dma_start3A_199 = tpu.memref_slice %arg5[%mul3A_198] : memref<25600xi32, #tpu.memory_space<vmem>> -> memref<200xi32, #tpu.memory_space<vmem>>
        %dma_start3A_200 = arith.constant 0 : i32
        %dma_start3A_201 = arith.constant 0 : i32
        %dma_start3A_202 = tpu.memref_slice %arg3[%dma_start3A_200, %dma_start3A_201] : memref<1000000x128xf32, #tpu.memory_space<hbm>> -> memref<1000000x128xf32, #tpu.memory_space<hbm>>
        tpu.enqueue_indirect_dma source(%dma_start3A_202 : memref<1000000x128xf32, #tpu.memory_space<hbm>>) target(%arg6 : memref<200x128xf32, #tpu.memory_space<vmem>>) offsets(%dma_start3A_199 : memref<200xi32, #tpu.memory_space<vmem>>) semaphore(%arg10 : memref<!tpu.dma_semaphore, #tpu.memory_space<semaphore_mem>>)
      } else {
      }
      %add3A_141 = arith.constant 1 : i32
      %add3A_142 = arith.addi %add3A_37, %add3A_141 : i32
      %add3A_143 = arith.addi %mul3A_2, %add3A_142 : i32
      %dma_wait3A_144 = arith.constant 0 : i32
      %dma_wait3A_145 = arith.constant 0 : i32
      %dma_wait3A_146 = tpu.memref_slice %arg4[%add3A_143, %dma_wait3A_144, %dma_wait3A_145] : memref<4096x200x128xf32, #tpu.memory_space<hbm>> -> memref<1x200x128xf32, #tpu.memory_space<hbm>>
      %dma_wait3A_147 = tpu.memref_squeeze %dma_wait3A_146 : memref<1x200x128xf32, #tpu.memory_space<hbm>> -> memref<200x128xf32, #tpu.memory_space<hbm>>
      %dma_wait3A_148 = arith.constant 0 : i32
      %dma_wait3A_149 = arith.constant 0 : i32
      %dma_wait3A_150 = tpu.memref_slice %arg4[%add3A_143, %dma_wait3A_148, %dma_wait3A_149] : memref<4096x200x128xf32, #tpu.memory_space<hbm>> -> memref<1x200x128xf32, #tpu.memory_space<hbm>>
      %dma_wait3A_151 = tpu.memref_squeeze %dma_wait3A_150 : memref<1x200x128xf32, #tpu.memory_space<hbm>> -> memref<200x128xf32, #tpu.memory_space<hbm>>
      tpu.wait_dma2 semaphore(%arg15 : memref<!tpu.dma_semaphore, #tpu.memory_space<semaphore_mem>>) src(%arg7 : memref<200x128xf32, #tpu.memory_space<vmem>>) dst(%dma_wait3A_151 : memref<200x128xf32, #tpu.memory_space<hbm>>)
      %add3A_152 = arith.constant 4 : i32
      %add3A_153 = arith.addi %add3A_142, %add3A_152 : i32
      %lt3A_154 = arith.constant 128 : i32
      %lt3A_155 = arith.cmpi slt, %add3A_153, %lt3A_154 : i32
      %convert_element_type3A_156 = arith.extui %lt3A_155 : i1 to i32
      %cond3A_157 = arith.constant 0 : i32
      %cond3A_158 = arith.cmpi ne, %convert_element_type3A_156, %cond3A_157 : i32
      scf.if %cond3A_158 {
        %add3A_195 = arith.constant 4 : i32
        %add3A_196 = arith.addi %add3A_142, %add3A_195 : i32
        %mul3A_197 = arith.constant 200 : i32
        %mul3A_198 = arith.muli %add3A_196, %mul3A_197 : i32
        %dma_start3A_199 = tpu.memref_slice %arg5[%mul3A_198] : memref<25600xi32, #tpu.memory_space<vmem>> -> memref<200xi32, #tpu.memory_space<vmem>>
        %dma_start3A_200 = arith.constant 0 : i32
        %dma_start3A_201 = arith.constant 0 : i32
        %dma_start3A_202 = tpu.memref_slice %arg3[%dma_start3A_200, %dma_start3A_201] : memref<1000000x128xf32, #tpu.memory_space<hbm>> -> memref<1000000x128xf32, #tpu.memory_space<hbm>>
        tpu.enqueue_indirect_dma source(%dma_start3A_202 : memref<1000000x128xf32, #tpu.memory_space<hbm>>) target(%arg7 : memref<200x128xf32, #tpu.memory_space<vmem>>) offsets(%dma_start3A_199 : memref<200xi32, #tpu.memory_space<vmem>>) semaphore(%arg11 : memref<!tpu.dma_semaphore, #tpu.memory_space<semaphore_mem>>)
      } else {
      }
      %add3A_159 = arith.constant 2 : i32
      %add3A_160 = arith.addi %add3A_37, %add3A_159 : i32
      %add3A_161 = arith.addi %mul3A_2, %add3A_160 : i32
      %dma_wait3A_162 = arith.constant 0 : i32
      %dma_wait3A_163 = arith.constant 0 : i32
      %dma_wait3A_164 = tpu.memref_slice %arg4[%add3A_161, %dma_wait3A_162, %dma_wait3A_163] : memref<4096x200x128xf32, #tpu.memory_space<hbm>> -> memref<1x200x128xf32, #tpu.memory_space<hbm>>
      %dma_wait3A_165 = tpu.memref_squeeze %dma_wait3A_164 : memref<1x200x128xf32, #tpu.memory_space<hbm>> -> memref<200x128xf32, #tpu.memory_space<hbm>>
      %dma_wait3A_166 = arith.constant 0 : i32
      %dma_wait3A_167 = arith.constant 0 : i32
      %dma_wait3A_168 = tpu.memref_slice %arg4[%add3A_161, %dma_wait3A_166, %dma_wait3A_167] : memref<4096x200x128xf32, #tpu.memory_space<hbm>> -> memref<1x200x128xf32, #tpu.memory_space<hbm>>
      %dma_wait3A_169 = tpu.memref_squeeze %dma_wait3A_168 : memref<1x200x128xf32, #tpu.memory_space<hbm>> -> memref<200x128xf32, #tpu.memory_space<hbm>>
      tpu.wait_dma2 semaphore(%arg16 : memref<!tpu.dma_semaphore, #tpu.memory_space<semaphore_mem>>) src(%arg8 : memref<200x128xf32, #tpu.memory_space<vmem>>) dst(%dma_wait3A_169 : memref<200x128xf32, #tpu.memory_space<hbm>>)
      %add3A_170 = arith.constant 4 : i32
      %add3A_171 = arith.addi %add3A_160, %add3A_170 : i32
      %lt3A_172 = arith.constant 128 : i32
      %lt3A_173 = arith.cmpi slt, %add3A_171, %lt3A_172 : i32
      %convert_element_type3A_174 = arith.extui %lt3A_173 : i1 to i32
      %cond3A_175 = arith.constant 0 : i32
      %cond3A_176 = arith.cmpi ne, %convert_element_type3A_174, %cond3A_175 : i32
      scf.if %cond3A_176 {
        %add3A_195 = arith.constant 4 : i32
        %add3A_196 = arith.addi %add3A_160, %add3A_195 : i32
        %mul3A_197 = arith.constant 200 : i32
        %mul3A_198 = arith.muli %add3A_196, %mul3A_197 : i32
        %dma_start3A_199 = tpu.memref_slice %arg5[%mul3A_198] : memref<25600xi32, #tpu.memory_space<vmem>> -> memref<200xi32, #tpu.memory_space<vmem>>
        %dma_start3A_200 = arith.constant 0 : i32
        %dma_start3A_201 = arith.constant 0 : i32
        %dma_start3A_202 = tpu.memref_slice %arg3[%dma_start3A_200, %dma_start3A_201] : memref<1000000x128xf32, #tpu.memory_space<hbm>> -> memref<1000000x128xf32, #tpu.memory_space<hbm>>
        tpu.enqueue_indirect_dma source(%dma_start3A_202 : memref<1000000x128xf32, #tpu.memory_space<hbm>>) target(%arg8 : memref<200x128xf32, #tpu.memory_space<vmem>>) offsets(%dma_start3A_199 : memref<200xi32, #tpu.memory_space<vmem>>) semaphore(%arg12 : memref<!tpu.dma_semaphore, #tpu.memory_space<semaphore_mem>>)
      } else {
      }
      %add3A_177 = arith.constant 3 : i32
      %add3A_178 = arith.addi %add3A_37, %add3A_177 : i32
      %add3A_179 = arith.addi %mul3A_2, %add3A_178 : i32
      %dma_wait3A_180 = arith.constant 0 : i32
      %dma_wait3A_181 = arith.constant 0 : i32
      %dma_wait3A_182 = tpu.memref_slice %arg4[%add3A_179, %dma_wait3A_180, %dma_wait3A_181] : memref<4096x200x128xf32, #tpu.memory_space<hbm>> -> memref<1x200x128xf32, #tpu.memory_space<hbm>>
      %dma_wait3A_183 = tpu.memref_squeeze %dma_wait3A_182 : memref<1x200x128xf32, #tpu.memory_space<hbm>> -> memref<200x128xf32, #tpu.memory_space<hbm>>
      %dma_wait3A_184 = arith.constant 0 : i32
      %dma_wait3A_185 = arith.constant 0 : i32
      %dma_wait3A_186 = tpu.memref_slice %arg4[%add3A_179, %dma_wait3A_184, %dma_wait3A_185] : memref<4096x200x128xf32, #tpu.memory_space<hbm>> -> memref<1x200x128xf32, #tpu.memory_space<hbm>>
      %dma_wait3A_187 = tpu.memref_squeeze %dma_wait3A_186 : memref<1x200x128xf32, #tpu.memory_space<hbm>> -> memref<200x128xf32, #tpu.memory_space<hbm>>
      tpu.wait_dma2 semaphore(%arg17 : memref<!tpu.dma_semaphore, #tpu.memory_space<semaphore_mem>>) src(%arg9 : memref<200x128xf32, #tpu.memory_space<vmem>>) dst(%dma_wait3A_187 : memref<200x128xf32, #tpu.memory_space<hbm>>)
      %add3A_188 = arith.constant 4 : i32
      %add3A_189 = arith.addi %add3A_178, %add3A_188 : i32
      %lt3A_190 = arith.constant 128 : i32
      %lt3A_191 = arith.cmpi slt, %add3A_189, %lt3A_190 : i32
      %convert_element_type3A_192 = arith.extui %lt3A_191 : i1 to i32
      %cond3A_193 = arith.constant 0 : i32
      %cond3A_194 = arith.cmpi ne, %convert_element_type3A_192, %cond3A_193 : i32
      scf.if %cond3A_194 {
        %add3A_195 = arith.constant 4 : i32
        %add3A_196 = arith.addi %add3A_178, %add3A_195 : i32
        %mul3A_197 = arith.constant 200 : i32
        %mul3A_198 = arith.muli %add3A_196, %mul3A_197 : i32
        %dma_start3A_199 = tpu.memref_slice %arg5[%mul3A_198] : memref<25600xi32, #tpu.memory_space<vmem>> -> memref<200xi32, #tpu.memory_space<vmem>>
        %dma_start3A_200 = arith.constant 0 : i32
        %dma_start3A_201 = arith.constant 0 : i32
        %dma_start3A_202 = tpu.memref_slice %arg3[%dma_start3A_200, %dma_start3A_201] : memref<1000000x128xf32, #tpu.memory_space<hbm>> -> memref<1000000x128xf32, #tpu.memory_space<hbm>>
        tpu.enqueue_indirect_dma source(%dma_start3A_202 : memref<1000000x128xf32, #tpu.memory_space<hbm>>) target(%arg9 : memref<200x128xf32, #tpu.memory_space<vmem>>) offsets(%dma_start3A_199 : memref<200xi32, #tpu.memory_space<vmem>>) semaphore(%arg13 : memref<!tpu.dma_semaphore, #tpu.memory_space<semaphore_mem>>)
      } else {
      }
    }
    %scan3A_32 = arith.constant 32 : i32
    return
  }
}

</mosaic_0001>

<sc_bundles>
// kernel: kernel.3.cloned.1.call-start
scs
__scs_entry_jumppad:
0x0: {  	(pc) =	sbr.rel $0x88, $3  }
0x1: {  	(tag) =	ssettag $0x0;
	lr =	simm.s32 $0x1  }
0x2: {  	[smem:$0x3F9F] =	sst lr;
	_ =	strace $0xD0000000  }
0x3: {  	_ = 	snop  }
0x4: {  	_ = 	snop  }
0x5: {  	_ = 	snop  }
0x6: {  	_ = 	snop  }
0x7: {  	_ = 	snop  }
__scs_overlays_trampoline_lowered:
0x8: {  	[smem:$0x3FAE] =	sst s0  }
0x9: {  	[smem:$0x3FAF] =	sst s1  }
0xa: {  	[smem:$0x3FB0] =	sst s2  }
0xb: {  	[smem:$0x3FB1] =	sst s3  }
0xc: {  	[smem:$0x3FB2] =	sst s4  }
0xd: {  	[smem:$0x3FB3] =	sst s5  }
0xe: {  	[smem:$0x3FB4] =	sst s6  }
0xf: {  	[smem:$0x3FB5] =	sst s7  }
0x10: {  	[smem:$0x3FB6] =	sst s8  }
0x11: {  	[smem:$0x3FB7] =	sst s9;
	s0 =	simm.s32 @!p0 $0x0  }
0x12: {  	s1 =	sld [smem:$0x3F9D];
	s0 =	simm.s32 @p0 $0x1  }
0x13: {  	[smem:$0x3FB8] =	sst s0;
	s0 =	simm.s32 @!p1 $0x0  }
0x14: {  	s2 =	sld [smem:$0x3F9C];
	s0 =	simm.s32 @p1 $0x1  }
0x15: {  	[smem:$0x3FB9] =	sst s0;
	s0 =	simm.s32 @!p2 $0x0  }
0x16: {  	s3 =	sld [smem:$0x3FDB];
	s0 =	simm.s32 @p2 $0x1  }
0x17: {  	s4 =	simm.s32 $0x1BF5;
	[smem:$0x3FBB] =	sst s0  }
0x18: {  	s0 =	sld [smem:$0x3F9E];
	_ =	swait.ge [sflag:s4], $0x0  }
0x19: {  	s7 =	sld [smem:$0x3F9F]  }
0x1a: {  	s8 =	sadd.s32 $0xFFFFE003, lr  }
0x1b: {  	s9 =	sadd.s32 $0xFFFFFEF7, lr;
	s5 =	simm.s32 $0xFFFFFFFF;
	p2 =	slt.u32 s8, $0xFFFFF086  }
0x1c: {  	p1 =	slt.u32 s9, $0xF7A;
	s5 =	simm.s32 @!p2 $0x0  }
0x1d: {  	s5 =	simm.s32 @p1 $0x1;
	p0 =	seq.s32 s7, s2  }
0x1e: {  	s7 =	smul.u32 @!p0 $0xF7A, s2;
	p2 =	seq.s32 @!p0 s5, $0x0  }
0x1f: {  	s9 =	smul.u32 $0xF7A, s1;
	s8 =	simm.s32 @!p0 $0x1BF5;
	p2 =	por !p2, p0  }
0x20: {  	[sflag:s8] =	ssyncset.s32 @!p0 $0xFFFFF086;
	s6 =	sadd.s32 @!p0 s3, s7;
	s7 =	simm.s32 @!p0 $0x108  }
0x21: {  	s3 =	sadd.s32 s3, s9;
	s6 =	sadd.s32 @!p0 $0x88, s6;
	s7 =	simm.s32 @p2 $0x1082  }
0x22: {  	[simem:s7], [sflag:s8] =	dma.local @!p0 [hbm:s6], $0xF7A  }
0x23: {  	s9 =	sor.u32 $0xD0000000, s2;
	s6 =	simm.s32 $0x108;
	_ =	swait.ge @!p0 [sflag:s8], $0x0  }
0x24: {  	s3 =	sadd.s32 $0x88, s3;
	s6 =	simm.s32 @!p1 $0x1082;
	[sflag:s4] =	ssyncset.s32 $0xFFFFF086  }
0x25: {  	[simem:s6], [sflag:s4] =	dma.local [hbm:s3], $0xF7A  }
0x26: {  	[smem:$0x3F9F] =	sst s1;
	(tag) =	ssettag s2;
	_ =	strace s9  }
0x27: {  	s1 =	sld [smem:$0x3FAF]  }
0x28: {  	s2 =	sld [smem:$0x3FB0]  }
0x29: {  	s4 =	sld [smem:$0x3FB2]  }
0x2a: {  	p0 =	seq.s32 s5, $0x0;
	s5 =	sld [smem:$0x3FB3]  }
0x2b: {  	s6 =	sld [smem:$0x3FB4]  }
0x2c: {  	s7 =	sld [smem:$0x3FB5]  }
0x2d: {  	s3 =	simm.s32 $0x108;
	s8 =	sld [smem:$0x3FB6]  }
0x2e: {  	s3 =	simm.s32 @!p0 $0x1082;
	s9 =	sld [smem:$0x3FB7]  }
0x2f: {  	lr =	sadd.s32 s0, s3;
	s0 =	sld [smem:$0x3FAE]  }
0x30: {  	s3 =	sld [smem:$0x3FB1]  }
0x31: {  	[smem:$0x3FBA] =	sst s10  }
0x32: {  	s10 =	sld [smem:$0x3FB8];
	_ =	sdelay $0x3  }
0x33: {  	p0 =	seq.s32 s10, $0x1;
	s10 =	sld [smem:$0x3FBA];
	_ =	sdelay $0x3  }
0x34: {  	[smem:$0x3FBA] =	sst s10  }
0x35: {  	s10 =	sld [smem:$0x3FB9];
	_ =	sdelay $0x3  }
0x36: {  	p1 =	seq.s32 s10, $0x1;
	s10 =	sld [smem:$0x3FBA];
	_ =	sdelay $0x3  }
0x37: {  	[smem:$0x3FBA] =	sst s10  }
0x38: {  	s10 =	sld [smem:$0x3FBB]  }
0x39: {  	_ = 	snop;
	(pc) =	sbr.ind lr, $3  }
0x3a: {  	_ = 	snop  }
0x3b: {  	_ = 	snop  }
0x3c: {  	p2 =	seq.s32 s10, $0x1;
	s10 =	sld [smem:$0x3FBA]  }
0x3d: {  	_ =	shalt  }
0x3e: {  	_ =	shalt  }
0x3f: {  	_ =	shalt  }
0x40: {  	_ =	shalt  }
0x41: {  	_ =	shalt  }
0x42: {  	_ =	shalt  }
0x43: {  	_ =	shalt  }
0x44: {  	_ =	shalt  }
0x45: {  	_ =	shalt  }
0x46: {  	_ =	shalt  }
0x47: {  	_ =	shalt  }
0x48: {  	_ =	shalt  }
0x49: {  	_ =	shalt  }
0x4a: {  	_ =	shalt  }
0x4b: {  	_ =	shalt  }
0x4c: {  	_ =	shalt  }
0x4d: {  	_ =	shalt  }
0x4e: {  	_ =	shalt  }
0x4f: {  	_ =	shalt  }
0x50: {  	_ =	shalt  }
0x51: {  	_ =	shalt  }
0x52: {  	_ =	shalt  }
0x53: {  	_ =	shalt  }
0x54: {  	_ =	shalt  }
0x55: {  	_ =	shalt  }
0x56: {  	_ =	shalt  }
0x57: {  	_ =	shalt  }
0x58: {  	_ =	shalt  }
0x59: {  	_ =	shalt  }
0x5a: {  	_ =	shalt  }
0x5b: {  	_ =	shalt  }
0x5c: {  	_ =	shalt  }
0x5d: {  	_ =	shalt  }
0x5e: {  	_ =	shalt  }
0x5f: {  	_ =	shalt  }
0x60: {  	_ =	shalt  }
0x61: {  	_ =	shalt  }
0x62: {  	_ =	shalt  }
0x63: {  	_ =	shalt  }
0x64: {  	_ =	shalt  }
0x65: {  	_ =	shalt  }
0x66: {  	_ =	shalt  }
0x67: {  	_ =	shalt  }
0x68: {  	_ =	shalt  }
0x69: {  	_ =	shalt  }
0x6a: {  	_ =	shalt  }
0x6b: {  	_ =	shalt  }
0x6c: {  	_ =	shalt  }
0x6d: {  	_ =	shalt  }
0x6e: {  	_ =	shalt  }
0x6f: {  	_ =	shalt  }
0x70: {  	_ =	shalt  }
0x71: {  	_ =	shalt  }
0x72: {  	_ =	shalt  }
0x73: {  	_ =	shalt  }
0x74: {  	_ =	shalt  }
0x75: {  	_ =	shalt  }
0x76: {  	_ =	shalt  }
0x77: {  	_ =	shalt  }
0x78: {  	_ =	shalt  }
0x79: {  	_ =	shalt  }
0x7a: {  	_ =	shalt  }
0x7b: {  	_ =	shalt  }
0x7c: {  	_ =	shalt  }
0x7d: {  	_ =	shalt  }
0x7e: {  	_ =	shalt  }
0x7f: {  	_ =	shalt  }
0x80: {  	_ =	shalt  }
0x81: {  	_ =	shalt  }
0x82: {  	_ =	shalt  }
0x83: {  	_ =	shalt  }
0x84: {  	_ =	shalt  }
0x85: {  	_ =	shalt  }
0x86: {  	_ =	shalt  }
0x87: {  	_ =	shalt  }
.Lfunc_end0:
.L_simem_size_0:
called_computation.1_lowered:
.L_overlay_start_0:
0x88: {  	s2 =	sld [smem:$0x3FD9]  }
0x89: {  	s3 =	sld [smem:$0x3FFE];
	_ =	sdelay $0x1  }
0x8a: {  	s1 =	srdreg.scid  }
0x8b: {  	s0 =	sand.u32 $0x1, s1  }
0x8c: {  	s17 =	sshll.u32 s0, $0xA;
	s2 =	sadd.s32 s3, s2  }
0x8d: {  	s2 =	sadd.s32 s2, s17  }
0x8e: {  	[smem:$0x3FC6] =	sst s2  }
0x8f: {  	_ = 	snop  }
0x90: {  	s2 =	sld [smem:$0x3FD0];
	(tm) =	ssettm $0x1  }
0x91: {  	s18 =	sld [smem:$0x3FFB];
	_ =	sdelay $0x3  }
0x92: {  	_ =	strace s18  }
0x93: {  	s3 =	sld [smem:$0x3FFC];
	_ =	sdelay $0x3  }
0x94: {  	_ =	strace s3  }
0x95: {  	s3 =	sld [smem:$0x3FFD];
	_ =	sdelay $0x3  }
0x96: {  	_ =	strace s3  }
0x97: {  	_ =	strace $0x8FFFFFFF  }
0x98: {  	s19 =	sld [smem:$0x3FDB];
	_ =	sdelay $0x1  }
0x99: {  	s4 =	simm.s32 $_scs_section_size  }
0x9a: {  	s5 =	simm.s32 $_size__tile_overlayer_lowered;
	s6 =	simm.s32 $_tile_overlayer_lowered  }
0x9b: {  	s22 =	simm.s32 $0x1BFF;
	s21 =	sshll.u32 s6, $0x1;
	s3 =	sadd.s32 s4, s19  }
0x9c: {  	s7 =	simm.s32 $0x0;
	s20 =	sshll.u32 s5, $0x1;
	s5 =	sadd.s32 s21, s3  }
0x9d: {  	[timem:s7], [sflag:s22] =	dma.local [hbm:s5], s20  }
0x9e: {  	_ =	swait.ge [sflag:s22], s20  }
0x9f: {  	s4 =	ssub.s32 $0x0, s20;
	[sflag:s22] =	ssyncset.done $0x0  }
0xa0: {  	[sflag:s22] =	ssyncadd.s32 s4;
	_ =	sdelay $0x1  }
0xa1: {  	s23 =	simm.s32 $0x1B8B  }
0xa2: {  	_ =	swait.ge [sflag:s23], $0x1  }
0xa3: {  	[sflag:s23] =	ssyncset.done $0x0  }
0xa4: {  	s25 =	simm.s32 $0x1B8E;
	s24 =	sld [smem:$0x3FFE];
	[sflag:s23] =	ssyncadd.s32 $0xFFFFFFFF  }
0xa5: {  	s26 =	simm.s32 $execute0_lowered;
	[smem:$0x3FD2] =	sst s25  }
0xa6: {  	s5 =	sshll.u32 s26, $0x1;
	_ =	strace $0x80000046;
	[dreg:$0x1] =	wrdreg $0xFFFFFFFF  }
0xa7: {  	s28 =	simm.s32 $_size_execute0_lowered;
	s3 =	sadd.s32 s3, s5;
	[dreg:$0x0] =	wrdreg $0x0  }
0xa8: {  	s5 =	sshll.u32 s28, $0x1;
	[dreg:$0x2] =	wrdreg s3  }
0xa9: {  	[dreg:$0x3] =	wrdreg s5  }
0xaa: {  	[dreg:$0x4] =	wrdreg $0xC0  }
0xab: {  	_ =	task [dreg:s7], $0x5FFFF  }
0xac: {  	[dreg:$0x1] =	wrdreg $0xFFFFFFFF  }
0xad: {  	[dreg:$0x0] =	wrdreg $0x60  }
0xae: {  	[dreg:$0x2] =	wrdreg s2  }
0xaf: {  	[dreg:$0x3] =	wrdreg s24  }
0xb0: {  	[dreg:$0x4] =	wrdreg $0x9  }
0xb1: {  	_ =	task.clear_ibuf [dreg:s7], $0x5FFFF;
	_ =	strace $0x90000046  }
0xb2: {  	s29 =	simm.s32 $0x9;
	_ =	strace $0x80000048  }
0xb3: {  	_ =	swait.ge [sflag:s29], $0x1  }
0xb4: {  	[sflag:s29] =	ssyncadd.s32 $0xFFFFFFFF  }
0xb5: {  	_ =	strace $0x90000048  }
0xb6: {  	_ =	sfence  }
0xb7: {  	s30 =	sld [smem:$0x0];
	_ =	sdelay $0x2  }
0xb8: {  	s31 =	sshll.u32 s1, $0xD;
	s1 =	sshrl.u32 s1, $0x2  }
0xb9: {  	s3 =	sand.u32 $0x4000, s31;
	s1 =	sadd.s32 s1, s30  }
0xba: {  	s0 =	sor.u32 s3, s0;
	s1 =	sshll.u32 s1, $0x11  }
0xbb: {  	s0 =	sor.u32 s1, s0  }
0xbc: {  	s0 =	sadd.s32 $0x8F2B, s0  }
0xbd: {  	[sflag:s0] =	ssyncadd.remote.s32 $0x1  }
0xbe: {  	_ =	sfence.sel $0xFFFF  }
0xbf: {  	[dreg:$0x0] =	wrdreg $0xFFFFFFFF;
	(pc) =	sbr.abs _section_cstart, $3  }
0xc0: {  	[dreg:$0x1] =	wrdreg $0xFFFFFFFF  }
0xc1: {  	_ =	task.clear_ibuf [dreg:s7], $0x2FFFF;
	_ =	strace $0x9FFFFFFF  }
0xc2: {  	(tm) =	ssettm $0x7FFFFFFF  }
0xc3: {  	_ =	shalt  }
tec
execute0_lowered:
.L_overlay_start_1:
0x0: {  	(tag) =	ssettag $0x1  }
0x1: {  	s6 =	rddreg [dreg:$0x0]  }
0x2: {  	s4 =	rddreg [dreg:$0x1]  }
0x3: {  	s0 =	rddreg [dreg:$0x2]  }
0x4: {  	s3 =	srdreg.scid;
	s1 =	stileid.u32  }
0x5: {  	s2 =	simm.s32 $0x0;
	s10 =	simm.s32 $0x6400;
	s11 =	simm.s32 $0xC800  }
0x6: {  	s12 =	simm.s32 $0x190;
	s13 =	simm.s32 $0x12C00;
	s14 =	simm.s32 $0x258  }
0x7: {  	s15 =	simm.s32 $0x19000;
	s16 =	simm.s32 $0x1;
	s17 =	simm.s32 $0x2  }
0x8: {  	s18 =	simm.s32 $0x3;
	s19 =	simm.s32 $0x4;
	s20 =	simm.s32 $0x5  }
0x9: {  	s21 =	simm.s32 $0x6;
	s22 =	simm.s32 $0x7;
	s23 =	simm.s32 $0x8  }
0xa: {  	s24 =	simm.s32 $0x0;
	s3 =	sand.u32 $0x1, s3;
	s5 =	sshll.u32 s1, $0x1  }
.Ltmp0:
0xb: {  	[smem:$0x7FF] =	sst s2;
	s5 =	sor.u32 s3, s5;
	(pc) =	sbr.rel .LBB2_1-.Ltmp0, $4  }
0xc: {  	_ =	strace $0x80000047;
	s7 =	ssub.s32 $0x2, s3;
	s3 =	sadd.s32 $0xF42E00, s4  }
0xd: {  	s4 =	sadd.s32 $0xA00, s4;
	s8 =	smul.u32 $0xC80, s5;
	s9 =	sshrl.u32 s7, $0x1  }
0xe: {  	s5 =	sshll.u32 s5, $0x7;
	s7 =	ssub.s32 s7, s9;
	s9 =	simm.s32 $0xC8  }
0xf: {  	s6 =	sadd.s32 s6, s8;
	s7 =	smax.u32 s7, $0x1;
	s8 =	simm.s32 $0x9  }
.LBB2_12:
0x10: {  	_ =	swait.ge [sflag:s21], $0x6400  }
0x11: {  	[sflag:s21] =	ssyncset.done $0x0  }
0x12: {  	s24 =	sadd.s32 $0x1, s24;
	[sflag:s21] =	ssyncadd.s32 $0xFFFF9C00  }
0x13: {  	p0 =	sne.s32 s24, s7;
	_ =	swait.ge [sflag:s22], $0x6400  }
.Ltmp1:
0x14: {  	[sflag:s22] =	ssyncset.done $0x0;
	(pc) =	sbr.rel @!p0 .LBB2_13-.Ltmp1, $4  }
0x15: {  	[sflag:s22] =	ssyncadd.s32 $0xFFFF9C00  }
0x16: {  	_ =	swait.ge [sflag:s23], $0x6400  }
0x17: {  	[sflag:s23] =	ssyncset.done $0x0  }
0x18: {  	[sflag:s23] =	ssyncadd.s32 $0xFFFF9C00  }
.LBB2_1:
0x19: {  	[tilespmem:s2], [sflag:$0x9] =	stream.linear.gather [hbm4b:s6+s2], $0x6400, $0x38;
	[tilespmem:$0x1F400] =	vst v63  }
0x1a: {  	_ =	swait.ge [sflag:s8], $0x6400  }
0x1b: {  	[sflag:s8] =	ssyncset.done $0x0  }
0x1c: {  	[sflag:s8] =	ssyncadd.s32 $0xFFFF9C00  }
0x1d: {  	[tilespmem:s10], [sflag:$0x1] =	stream.indirect.gather [hbm4b:s3+s9], $0x80, s2, s9, $0xb8;
	[tilespmem:$0x1F400] =	vst v63  }
0x1e: {  	_ = 	snop  }
0x1f: {  	[tilespmem:s11], [sflag:$0x2] =	stream.indirect.gather [hbm4b:s3+s9], $0x80, s9, s9, $0xb8;
	[tilespmem:$0x1F400] =	vst v63  }
0x20: {  	_ = 	snop  }
0x21: {  	[tilespmem:s13], [sflag:$0x3] =	stream.indirect.gather [hbm4b:s3+s9], $0x80, s12, s9, $0xb8;
	[tilespmem:$0x1F400] =	vst v63  }
0x22: {  	s25 =	simm.s32 $0x0  }
0x23: {  	[tilespmem:s15], [sflag:$0x4] =	stream.indirect.gather [hbm4b:s3+s9], $0x80, s14, s9, $0xb8;
	[tilespmem:$0x1F400] =	vst v63  }
.LBB2_2:
0x24: {  	_ =	swait.ge [sflag:s16], $0x6400  }
0x25: {  	[sflag:s16] =	ssyncset.done $0x0  }
0x26: {  	s28 =	simm.s32 $0x0;
	[sflag:s16] =	ssyncadd.s32 $0xFFFF9C00  }
0x27: {  	v1 =	vld [tilespmem:s28+$0x6400]  }
0x28: {  	v2 =	vld [tilespmem:s28+$0x6410]  }
0x29: {  	s26 =	simm.s32 $0x200;
	v0 =	vld [tilespmem:s28+$0x6420]  }
.LBB2_3:
0x2a: {  	p0 =	sne.s32 s26, $0x18E00;
	v3 =	vld [tilespmem:s28+$0x6430];
	_ =	sdelay $0x1  }
0x2b: {  	v1 =	vmul.f32 $8.000000000e+00, v1  }
.Ltmp2:
0x2c: {  	v2 =	vmul.f32 $8.000000000e+00, v2;
	(pc) =	sbr.rel @p0 .LBB2_3-.Ltmp2, $4  }
0x2d: {  	s29 =	sshra.s32 s26, $0x2;
	[tilespmem:s28+$0x6400] =	vst v1;
	v0 =	vmul.f32 $8.000000000e+00, v0  }
0x2e: {  	v1 =	vld [tilespmem:s29+$0x6400];
	[tilespmem:s28+$0x6410] =	vst v2;
	v3 =	vmul.f32 $8.000000000e+00, v3  }
0x2f: {  	v2 =	vld [tilespmem:s29+$0x6410];
	[tilespmem:s28+$0x6420] =	vst v0  }
0x30: {  	s26 =	sadd.s32 $0x200, s26;
	v0 =	vld [tilespmem:s29+$0x6420];
	[tilespmem:s28+$0x6430] =	vst v3;
	s28 =	smov.u32 s29  }
0x31: {  	v3 =	vld [tilespmem:s28+$0x6430];
	_ =	sdelay $0x1  }
0x32: {  	v1 =	vmul.f32 $8.000000000e+00, v1  }
0x33: {  	s26 =	sshll.u32 s25, $0x2;
	v2 =	vmul.f32 $8.000000000e+00, v2  }
0x34: {  	s29 =	sadd.s32 s5, s26;
	[tilespmem:s28+$0x6400] =	vst v1;
	v0 =	vmul.f32 $8.000000000e+00, v0  }
0x35: {  	s29 =	smul.u32 $0xC80, s29;
	[tilespmem:s28+$0x6410] =	vst v2;
	v1 =	vmul.f32 $8.000000000e+00, v3  }
0x36: {  	[tilespmem:s28+$0x6420] =	vst v0  }
0x37: {  	[tilespmem:s28+$0x6430] =	vst v1;
	s28 =	sadd.s32 s4, s29;
	s29 =	simm.s32 $0x0  }
0x38: {  	[hbm4b:s28+s29] =	stream.linear.scatter [tilespmem:s10], [sflag:$0x5], $0x6400, $0x38;
	[tilespmem:$0x1F400] =	vst v63  }
0x39: {  	_ =	swait.ge [sflag:s17], $0x6400  }
0x3a: {  	[sflag:s17] =	ssyncset.done $0x0  }
0x3b: {  	s28 =	simm.s32 $0x0;
	[sflag:s17] =	ssyncadd.s32 $0xFFFF9C00  }
0x3c: {  	v1 =	vld [tilespmem:s28+$0xC800]  }
0x3d: {  	v2 =	vld [tilespmem:s28+$0xC810]  }
0x3e: {  	s29 =	simm.s32 $0x200;
	v0 =	vld [tilespmem:s28+$0xC820]  }
.LBB2_5:
0x3f: {  	p0 =	sne.s32 s29, $0x18E00;
	v3 =	vld [tilespmem:s28+$0xC830];
	_ =	sdelay $0x1  }
0x40: {  	v1 =	vmul.f32 $8.000000000e+00, v1  }
.Ltmp3:
0x41: {  	v2 =	vmul.f32 $8.000000000e+00, v2;
	(pc) =	sbr.rel @p0 .LBB2_5-.Ltmp3, $4  }
0x42: {  	s30 =	sshra.s32 s29, $0x2;
	[tilespmem:s28+$0xC800] =	vst v1;
	v0 =	vmul.f32 $8.000000000e+00, v0  }
0x43: {  	v1 =	vld [tilespmem:s30+$0xC800];
	[tilespmem:s28+$0xC810] =	vst v2;
	v3 =	vmul.f32 $8.000000000e+00, v3  }
0x44: {  	v2 =	vld [tilespmem:s30+$0xC810];
	[tilespmem:s28+$0xC820] =	vst v0  }
0x45: {  	s29 =	sadd.s32 $0x200, s29;
	v0 =	vld [tilespmem:s30+$0xC820];
	[tilespmem:s28+$0xC830] =	vst v3;
	s28 =	smov.u32 s30  }
0x46: {  	v3 =	vld [tilespmem:s28+$0xC830];
	_ =	sdelay $0x1  }
0x47: {  	v1 =	vmul.f32 $8.000000000e+00, v1  }
0x48: {  	s26 =	sadd.s32 s26, s5;
	v2 =	vmul.f32 $8.000000000e+00, v2  }
0x49: {  	s26 =	smul.u32 $0xC80, s26;
	[tilespmem:s28+$0xC800] =	vst v1;
	v0 =	vmul.f32 $8.000000000e+00, v0  }
0x4a: {  	[tilespmem:s28+$0xC810] =	vst v2;
	v1 =	vmul.f32 $8.000000000e+00, v3  }
0x4b: {  	s26 =	sadd.s32 s4, s26;
	[tilespmem:s28+$0xC820] =	vst v0  }
0x4c: {  	s29 =	simm.s32 $0x0;
	[tilespmem:s28+$0xC830] =	vst v1;
	s28 =	sadd.s32 $0xC80, s26  }
0x4d: {  	[hbm4b:s28+s29] =	stream.linear.scatter [tilespmem:s11], [sflag:$0x6], $0x6400, $0x38;
	[tilespmem:$0x1F400] =	vst v63  }
0x4e: {  	_ =	swait.ge [sflag:s18], $0x6400  }
0x4f: {  	[sflag:s18] =	ssyncset.done $0x0  }
0x50: {  	s28 =	simm.s32 $0x0;
	[sflag:s18] =	ssyncadd.s32 $0xFFFF9C00  }
0x51: {  	v0 =	vld [tilespmem:s28+$0x12C00]  }
0x52: {  	v2 =	vld [tilespmem:s28+$0x12C10]  }
0x53: {  	s29 =	simm.s32 $0x200;
	v1 =	vld [tilespmem:s28+$0x12C20]  }
.LBB2_7:
0x54: {  	p0 =	sne.s32 s29, $0x18E00;
	v3 =	vld [tilespmem:s28+$0x12C30];
	_ =	sdelay $0x1  }
0x55: {  	v0 =	vmul.f32 $8.000000000e+00, v0  }
.Ltmp4:
0x56: {  	v2 =	vmul.f32 $8.000000000e+00, v2;
	(pc) =	sbr.rel @p0 .LBB2_7-.Ltmp4, $4  }
0x57: {  	s30 =	sshra.s32 s29, $0x2;
	[tilespmem:s28+$0x12C00] =	vst v0;
	v1 =	vmul.f32 $8.000000000e+00, v1  }
0x58: {  	v0 =	vld [tilespmem:s30+$0x12C00];
	[tilespmem:s28+$0x12C10] =	vst v2;
	v3 =	vmul.f32 $8.000000000e+00, v3  }
0x59: {  	v2 =	vld [tilespmem:s30+$0x12C10];
	[tilespmem:s28+$0x12C20] =	vst v1  }
0x5a: {  	s29 =	sadd.s32 $0x200, s29;
	v1 =	vld [tilespmem:s30+$0x12C20];
	[tilespmem:s28+$0x12C30] =	vst v3;
	s28 =	smov.u32 s30  }
0x5b: {  	v3 =	vld [tilespmem:s28+$0x12C30];
	_ =	sdelay $0x1  }
0x5c: {  	v0 =	vmul.f32 $8.000000000e+00, v0  }
0x5d: {  	v2 =	vmul.f32 $8.000000000e+00, v2  }
0x5e: {  	[tilespmem:s28+$0x12C00] =	vst v0;
	v0 =	vmul.f32 $8.000000000e+00, v1  }
0x5f: {  	[tilespmem:s28+$0x12C10] =	vst v2;
	v1 =	vmul.f32 $8.000000000e+00, v3  }
0x60: {  	[tilespmem:s28+$0x12C20] =	vst v0  }
0x61: {  	s29 =	simm.s32 $0x0;
	[tilespmem:s28+$0x12C30] =	vst v1;
	s28 =	sadd.s32 $0x1900, s26  }
0x62: {  	[hbm4b:s28+s29] =	stream.linear.scatter [tilespmem:s13], [sflag:$0x7], $0x6400, $0x38;
	[tilespmem:$0x1F400] =	vst v63  }
0x63: {  	_ =	swait.ge [sflag:s19], $0x6400  }
0x64: {  	[sflag:s19] =	ssyncset.done $0x0  }
0x65: {  	s28 =	simm.s32 $0x0;
	[sflag:s19] =	ssyncadd.s32 $0xFFFF9C00  }
0x66: {  	v0 =	vld [tilespmem:s28+$0x19000]  }
0x67: {  	v2 =	vld [tilespmem:s28+$0x19010]  }
0x68: {  	s29 =	simm.s32 $0x200;
	v1 =	vld [tilespmem:s28+$0x19020]  }
.LBB2_9:
0x69: {  	p0 =	sne.s32 s29, $0x18E00;
	v3 =	vld [tilespmem:s28+$0x19030];
	_ =	sdelay $0x1  }
0x6a: {  	v0 =	vmul.f32 $8.000000000e+00, v0  }
.Ltmp5:
0x6b: {  	v2 =	vmul.f32 $8.000000000e+00, v2;
	(pc) =	sbr.rel @p0 .LBB2_9-.Ltmp5, $4  }
0x6c: {  	s30 =	sshra.s32 s29, $0x2;
	[tilespmem:s28+$0x19000] =	vst v0;
	v1 =	vmul.f32 $8.000000000e+00, v1  }
0x6d: {  	v0 =	vld [tilespmem:s30+$0x19000];
	[tilespmem:s28+$0x19010] =	vst v2;
	v3 =	vmul.f32 $8.000000000e+00, v3  }
0x6e: {  	v2 =	vld [tilespmem:s30+$0x19010];
	[tilespmem:s28+$0x19020] =	vst v1  }
0x6f: {  	s29 =	sadd.s32 $0x200, s29;
	v1 =	vld [tilespmem:s30+$0x19020];
	[tilespmem:s28+$0x19030] =	vst v3;
	s28 =	smov.u32 s30  }
0x70: {  	v3 =	vld [tilespmem:s28+$0x19030];
	_ =	sdelay $0x1  }
0x71: {  	v0 =	vmul.f32 $8.000000000e+00, v0  }
0x72: {  	v2 =	vmul.f32 $8.000000000e+00, v2  }
0x73: {  	[tilespmem:s28+$0x19000] =	vst v0;
	v62 =	vmul.f32 $8.000000000e+00, v1  }
0x74: {  	[tilespmem:s28+$0x19010] =	vst v2;
	v63 =	vmul.f32 $8.000000000e+00, v3  }
0x75: {  	p0 =	seq.s32 s25, $0x1F;
	[tilespmem:s28+$0x19020] =	vst v62  }
.Ltmp6:
0x76: {  	s26 =	sadd.s32 $0x2580, s26;
	[tilespmem:s28+$0x19030] =	vst v63;
	(pc) =	sbr.rel @p0 .LBB2_12-.Ltmp6, $4  }
0x77: {  	[hbm4b:s26+s2] =	stream.linear.scatter [tilespmem:s15], [sflag:$0x8], $0x6400, $0x38;
	[tilespmem:$0x1F400] =	vst v63  }
0x78: {  	_ =	swait.ge [sflag:s20], $0x6400  }
0x79: {  	[sflag:s20] =	ssyncset.done $0x0  }
0x7a: {  	[sflag:s20] =	ssyncadd.s32 $0xFFFF9C00  }
0x7b: {  	s26 =	smul.u32 $0xC80, s25;
	_ =	sdelay $0x1  }
0x7c: {  	s26 =	sshra.s32 s26, $0x2  }
0x7d: {  	s28 =	sadd.s32 $0x320, s26  }
0x7e: {  	[tilespmem:s10], [sflag:$0x1] =	stream.indirect.gather [hbm4b:s3+s9], $0x80, s28, s9, $0xb8;
	[tilespmem:$0x1F400] =	vst v63  }
0x7f: {  	_ =	swait.ge [sflag:s21], $0x6400  }
0x80: {  	[sflag:s21] =	ssyncset.done $0x0  }
0x81: {  	s30 =	sadd.s32 $0x3E8, s26;
	[sflag:s21] =	ssyncadd.s32 $0xFFFF9C00  }
0x82: {  	[tilespmem:s11], [sflag:$0x2] =	stream.indirect.gather [hbm4b:s3+s9], $0x80, s30, s9, $0xb8;
	[tilespmem:$0x1F400] =	vst v63  }
0x83: {  	_ =	swait.ge [sflag:s22], $0x6400  }
0x84: {  	[sflag:s22] =	ssyncset.done $0x0  }
0x85: {  	s31 =	sadd.s32 $0x4B0, s26;
	[sflag:s22] =	ssyncadd.s32 $0xFFFF9C00  }
0x86: {  	[tilespmem:s13], [sflag:$0x3] =	stream.indirect.gather [hbm4b:s3+s9], $0x80, s31, s9, $0xb8;
	[tilespmem:$0x1F400] =	vst v63  }
.Ltmp7:
0x87: {  	_ = 	snop;
	(pc) =	sbr.rel .LBB2_2-.Ltmp7, $4  }
0x88: {  	_ =	swait.ge [sflag:s23], $0x6400  }
0x89: {  	[sflag:s23] =	ssyncset.done $0x0  }
0x8a: {  	s25 =	sadd.s32 $0x1, s25;
	s26 =	sadd.s32 $0x578, s26;
	[sflag:s23] =	ssyncadd.s32 $0xFFFF9C00  }
0x8b: {  	[tilespmem:s15], [sflag:$0x4] =	stream.indirect.gather [hbm4b:s3+s9], $0x80, s26, s9, $0xb8;
	[tilespmem:$0x1F400] =	vst v63  }
.LBB2_13:
0x8c: {  	_ =	sfence.sel $0x180000  }
0x8d: {  	[bflag:$0x0] =	sbarrier.arrive $0xFFFF  }
0x8e: {  	p0 =	sne.s32 s1, $0x0;
	_ =	strace $0x90000047  }
0x8f: {  	s0 =	sadd.s32 @!p0 $0x100000, s0;
	[bflag:$0x2] =	sbarrier.arrive $0xFFFF  }
0x90: {  	[sflag:s0] =	ssyncadd.tile.s32 @!p0 $0x1;
	_ =	shalt  }
.Lfunc_end2:
_tile_overlayer_lowered:
.L_overlay_start_2:
0x91: {  	(tag) =	ssettag $0x2  }
0x92: {  	s0 =	rddreg [dreg:$0x0];
	s2 =	stileid.u32  }
0x93: {  	s1 =	rddreg [dreg:$0x1];
	p0 =	sne.s32 s2, $0x0  }
0x94: {  	s3 =	rddreg [dreg:$0x2];
	[bflag:$0x3] =	sbarrier.arrive $0xFFFF;
	s2 =	simm.s32 @!p0 $0x1C0A  }
0x95: {  	[timem:s3], [sflag:s2] =	dma.local @!p0 [hbm:s0], s1  }
0x96: {  	s0 =	simm.s32 @!p0 $0xA  }
0x97: {  	_ =	swait.ge @!p0 [sflag:s0], s1  }
0x98: {  	s1 =	ssub.s32 @!p0 $0x0, s1;
	[sflag:s0] =	ssyncset.done @!p0 $0x0  }
0x99: {  	[sflag:s0] =	ssyncadd.s32 @!p0 s1  }
0x9a: {  	[bflag:$0x3] =	sbarrier.arrive $0xFFFF  }
0x9b: {  	_ =	shalt  }

// kernel: sparse-core-data-format-call.cloned.1.call-start
scs
called_computation_lowered:
.L_overlay_start_0:
0x0: {  	s2 =	sld [smem:$0x3FD9]  }
0x1: {  	s3 =	sld [smem:$0x3FFE];
	_ =	sdelay $0x1  }
0x2: {  	s1 =	srdreg.scid  }
0x3: {  	s0 =	sand.u32 $0x1, s1  }
0x4: {  	s18 =	sshll.u32 s0, $0xA;
	s2 =	sadd.s32 s3, s2  }
0x5: {  	s2 =	sadd.s32 s2, s18  }
0x6: {  	[smem:$0x3FC6] =	sst s2  }
0x7: {  	_ = 	snop  }
0x8: {  	s2 =	sld [smem:$0x3FD0];
	(tm) =	ssettm $0x1  }
0x9: {  	s19 =	sld [smem:$0x3FFB];
	_ =	sdelay $0x3  }
0xa: {  	_ =	strace s19  }
0xb: {  	s3 =	sld [smem:$0x3FFC];
	_ =	sdelay $0x3  }
0xc: {  	_ =	strace s3  }
0xd: {  	s3 =	sld [smem:$0x3FFD];
	_ =	sdelay $0x3  }
0xe: {  	_ =	strace s3  }
0xf: {  	_ =	strace $0x8FFFFFFF  }
0x10: {  	s20 =	sld [smem:$0x3FDB];
	_ =	sdelay $0x1  }
0x11: {  	s4 =	simm.s32 $_scs_section_size  }
0x12: {  	s5 =	simm.s32 $_size__tile_overlayer_lowered;
	s6 =	simm.s32 $_tile_overlayer_lowered  }
0x13: {  	s23 =	simm.s32 $0x1BFF;
	s22 =	sshll.u32 s6, $0x1;
	s3 =	sadd.s32 s4, s20  }
0x14: {  	s7 =	simm.s32 $0x0;
	s21 =	sshll.u32 s5, $0x1;
	s5 =	sadd.s32 s22, s3  }
0x15: {  	[timem:s7], [sflag:s23] =	dma.local [hbm:s5], s21  }
0x16: {  	_ =	swait.ge [sflag:s23], s21  }
0x17: {  	s4 =	ssub.s32 $0x0, s21;
	[sflag:s23] =	ssyncset.done $0x0  }
0x18: {  	[sflag:s23] =	ssyncadd.s32 s4;
	_ =	sdelay $0x1  }
0x19: {  	s24 =	simm.s32 $0x1B8B  }
0x1a: {  	_ =	swait.ge [sflag:s24], $0x1  }
0x1b: {  	[sflag:s24] =	ssyncset.done $0x0  }
0x1c: {  	s26 =	simm.s32 $0x1B8E;
	s25 =	sld [smem:$0x3FFE];
	[sflag:s24] =	ssyncadd.s32 $0xFFFFFFFF  }
0x1d: {  	s27 =	simm.s32 $execute0_lowered;
	[smem:$0x3FD2] =	sst s26  }
0x1e: {  	s5 =	sshll.u32 s27, $0x1;
	_ =	strace $0x80000049;
	[dreg:$0x1] =	wrdreg $0xFFFFFFFF  }
0x1f: {  	s28 =	simm.s32 $_size_execute0_lowered;
	s3 =	sadd.s32 s3, s5;
	[dreg:$0x0] =	wrdreg $0x0  }
0x20: {  	s5 =	sshll.u32 s28, $0x1;
	[dreg:$0x2] =	wrdreg s3  }
0x21: {  	[dreg:$0x3] =	wrdreg s5  }
0x22: {  	[dreg:$0x4] =	wrdreg $0xC0  }
0x23: {  	_ =	task [dreg:s7], $0x5FFFF  }
0x24: {  	[dreg:$0x1] =	wrdreg $0xFFFFFFFF  }
0x25: {  	[dreg:$0x0] =	wrdreg $0x60  }
0x26: {  	[dreg:$0x2] =	wrdreg s25  }
0x27: {  	[dreg:$0x3] =	wrdreg s2  }
0x28: {  	[dreg:$0x4] =	wrdreg $0x9  }
0x29: {  	_ =	task.clear_ibuf [dreg:s7], $0x5FFFF;
	_ =	strace $0x90000049  }
0x2a: {  	s29 =	simm.s32 $0x9;
	_ =	strace $0x8000004B  }
0x2b: {  	_ =	swait.ge [sflag:s29], $0x1  }
0x2c: {  	[sflag:s29] =	ssyncadd.s32 $0xFFFFFFFF  }
0x2d: {  	_ =	strace $0x9000004B  }
0x2e: {  	_ =	sfence  }
0x2f: {  	s30 =	sld [smem:$0x0];
	_ =	sdelay $0x2  }
0x30: {  	s31 =	sshll.u32 s1, $0xD;
	s1 =	sshrl.u32 s1, $0x2  }
0x31: {  	s3 =	sand.u32 $0x4000, s31;
	s1 =	sadd.s32 s1, s30  }
0x32: {  	s0 =	sor.u32 s3, s0;
	s1 =	sshll.u32 s1, $0x11  }
0x33: {  	s0 =	sor.u32 s1, s0  }
0x34: {  	s0 =	sadd.s32 $0x8F2B, s0  }
0x35: {  	[sflag:s0] =	ssyncadd.remote.s32 $0x1  }
0x36: {  	_ =	sfence.sel $0xFFFF  }
0x37: {  	[dreg:$0x0] =	wrdreg $0xFFFFFFFF;
	(pc) =	sbr.abs _section_cstart, $3  }
0x38: {  	[dreg:$0x1] =	wrdreg $0xFFFFFFFF  }
0x39: {  	_ =	task.clear_ibuf [dreg:s7], $0x2FFFF;
	_ =	strace $0x9FFFFFFF  }
0x3a: {  	(tm) =	ssettm $0x7FFFFFFF  }
0x3b: {  	_ =	shalt  }
tec
execute0_lowered:
.L_overlay_start_1:
0x0: {  	(tag) =	ssettag $0x1  }
0x1: {  	s0 =	srdreg.scid  }
0x2: {  	s1 =	sshll.u32 s0, $0x4  }
0x3: {  	s0 =	stileid.u32;
	s1 =	sand.u32 $0x10, s1  }
0x4: {  	s1 =	sor.u32 s0, s1  }
0x5: {  	s6 =	rddreg [dreg:$0x0];
	s4 =	simm.s32 $0x1;
	s2 =	sshll.u32 s1, $0x7  }
0x6: {  	s7 =	simm.s32 $0x2;
	s12 =	simm.s32 $0x0;
	s1 =	ssub.s32 $0x1000, s2  }
0x7: {  	s8 =	simm.s32 $0x8000;
	s13 =	simm.s32 $0x0;
	s3 =	sand.u32 $0xF80, s1  }
0x8: {  	s9 =	simm.s32 $0x0;
	s5 =	sshrl.u32 s1, $0xC;
	p0 =	sne.s32 s3, $0x0  }
.Ltmp0:
0x9: {  	s1 =	rddreg [dreg:$0x2];
	s4 =	simm.s32 @!p0 $0x0;
	(pc) =	sbr.rel .LBB1_1-.Ltmp0, $4  }
0xa: {  	s11 =	simm.s32 $0x0;
	s3 =	rddreg [dreg:$0x1];
	s5 =	sadd.s32 s4, s5  }
0xb: {  	_ =	strace $0x8000004A;
	s4 =	simm.s32 $0x1;
	s5 =	smul.u32 $0xC8, s5  }
0xc: {  	s6 =	sadd.s32 $0xA00, s6;
	s10 =	smov.u32 s2;
	[sflag:s4] =	ssyncpa.u1 $0x0  }
0xd: {  	p0 =	por $0x0, $0x0;
	[sflag:s7] =	ssyncpa.u1 $0x0;
	s7 =	sor.u32 $0x1, s5  }
.LBB1_4:
0xe: {  	s16 =	sshll.u32 s13, $0x3;
	s17 =	sand.u32 $0x78, s13  }
0xf: {  	s30 =	sand.u32 $0x7E00, s13;
	s12 =	sshll.u32 s12, $0xF;
	s16 =	sand.u32 $0xC00, s16  }
0x10: {  	[tilespmem:s15+$0x810 ss:$0x81] =	vst.msk $0xffff, v2;
	s31 =	sand.u32 $0x7, s13;
	s16 =	sor.u32 s17, s16;
	s17 =	sadd.s32 s3, s30  }
0x11: {  	[tilespmem:s15+$0x1020 ss:$0x81] =	vst.msk $0xffff, v0;
	s13 =	sshll.u32 s31, $0x12;
	s12 =	sadd.s32 s12, s17;
	s16 =	sshrl.u32 s16, $0x3  }
0x12: {  	[tilespmem:s15+$0x0 ss:$0x81] =	vst.msk $0xffff, v1;
	s13 =	sor.u32 $0x400, s13;
	s12 =	sadd.s32 s16, s12  }
0x13: {  	[hbm4b:s12+s13] =	stream.strided.scatter [tilespmem:s14], [sflag:$0x2], $0x2000, s8, s13, $0x20;
	[tilespmem:$0x8080] =	vst v63  }
.LBB1_5:
0x14: {  	s14 =	sadd.s32 $0x1, s9  }
0x15: {  	s12 =	sadd.s32 $0x1000, s10;
	s16 =	smov.u32 s10;
	p2 =	sgt.s32 s14, $0xC7  }
0x16: {  	s16 =	smov.u32 @p2 s12  }
0x17: {  	s14 =	simm.s32 @p2 $0x0;
	p2 =	sgt.s32 s16, $0xFFF  }
0x18: {  	s16 =	smov.u32 @p2 s2;
	p2 =	sne.s32 s11, s7  }
.Ltmp1:
0x19: {  	p1 =	slt.u32 s11, $0x2;
	(pc) =	sbr.rel @!p2 .LBB1_6-.Ltmp1, $4  }
0x1a: {  	s15 =	simm.s32 @!p1 $0x2  }
0x1b: {  	s13 =	smov.u32 s10;
	p0 =	por !p0, !p0;
	_ =	swait.ge @!p1 [sflag:s15], $0x2000  }
0x1c: {  	s12 =	smov.u32 s9;
	[sflag:s15] =	ssyncset.done @!p1 $0x0;
	s9 =	smov.u32 s14  }
0x1d: {  	s11 =	sadd.s32 $0x1, s11;
	[sflag:s15] =	ssyncadd.s32 @!p1 $0xFFFFE000;
	s10 =	smov.u32 s16  }
.LBB1_1:
0x1e: {  	p1 =	sge.u32 s11, s5  }
0x1f: {  	s14 =	sand.u32 @!p1 $0x1FFFFFF, s9  }
0x20: {  	s15 =	smulhi.u32 @!p1 $0x147AE15, s14;
	_ =	sdelay $0x1  }
0x21: {  	s15 =	smul.u32 @!p1 $0xC8, s15  }
0x22: {  	s16 =	sxor.u32 @!p1 $0xFFFFFFFF, s11;
	s17 =	smul.u32 @!p1 $0xC80, s10  }
0x23: {  	s31 =	sadd.s32 $0xFFFFFFFF, s11;
	s16 =	sshll.u32 @!p1 s16, $0xD;
	s14 =	ssub.s32 @!p1 s14, s15  }
0x24: {  	s15 =	sand.u32 @!p1 $0x2000, s16;
	s16 =	sadd.s32 @!p1 s6, s17;
	s14 =	sshll.u32 @!p1 s14, $0x4  }
0x25: {  	s17 =	simm.s32 @!p1 $0x6400;
	s14 =	sadd.s32 @!p1 s14, s16;
	s16 =	simm.s32 @!p1 $0x40  }
0x26: {  	[tilespmem:s15], [sflag:$0x1] =	stream.strided.gather @!p1 [hbm4b:s14+s16], $0x2000, s17, s16, $0x38;
	[tilespmem:$0x8080] =	vst v63  }
0x27: {  	p1 =	sge.u32 s31, s5  }
.Ltmp2:
0x28: {  	_ = 	snop;
	(pc) =	sbr.rel @p1 .LBB1_5-.Ltmp2, $1  }
0x29: {  	_ =	sdelay $0x3  }
0x2a: {  	s14 =	simm.s32 $0x1  }
0x2b: {  	_ =	swait.ge [sflag:s4], $0x2000;
	s14 =	simm.s32 @!p0 $0x0  }
0x2c: {  	[sflag:s4] =	ssyncset.done $0x0;
	s15 =	sshll.u32 s14, $0xD  }
0x2d: {  	[sflag:s4] =	ssyncadd.s32 $0xFFFFE000;
	s18 =	sor.u32 $0x20, s15  }
0x2e: {  	s14 =	smul.u32 $0x8100, s14;
	v3 =	vld [tilespmem:s18+$0x10]  }
0x2f: {  	s30 =	sand.u32 $0x1, s11;
	v2 =	vld [tilespmem:s18+$0xFFFFFFF0]  }
0x30: {  	s15 =	smul.u32 $0x8100, s30;
	s14 =	sshrl.u32 s14, $0x2;
	v0 =	vld [tilespmem:s18+$0x0]  }
0x31: {  	v1 =	vld [tilespmem:s18+$0xFFFFFFE0];
	s16 =	sor.u32 $0x4000, s14  }
0x32: {  	s31 =	sshrl.u32 s15, $0x2;
	s15 =	sadd.s32 $0x0, s16  }
0x33: {  	s17 =	simm.s32 $0x4;
	s18 =	sadd.s32 $0x40, s18;
	s14 =	sor.u32 $0x4000, s31;
	[tilespmem:s15+$0x1830 ss:$0x81] =	vst.msk $0xffff, v3  }
.LBB1_3:
0x34: {  	v3 =	vld [tilespmem:s18+$0x10];
	p1 =	sne.s32 s17, $0x1FC;
	[tilespmem:s15+$0x810 ss:$0x81] =	vst.msk $0xffff, v2;
	s19 =	smov.u32 s17;
	s17 =	sadd.s32 $0x4, s17  }
.Ltmp3:
0x35: {  	v2 =	vld [tilespmem:s18+$0xFFFFFFF0];
	[tilespmem:s15+$0x1020 ss:$0x81] =	vst.msk $0xffff, v0;
	(pc) =	sbr.rel @p1 .LBB1_3-.Ltmp3, $4  }
0x36: {  	v0 =	vld [tilespmem:s18+$0x0];
	[tilespmem:s15+$0x0 ss:$0x81] =	vst.msk $0xffff, v1  }
0x37: {  	s15 =	sshra.s32 s19, $0x2;
	v1 =	vld [tilespmem:s18+$0xFFFFFFE0]  }
0x38: {  	s15 =	sadd.s32 s15, s16  }
0x39: {  	s18 =	sadd.s32 $0x40, s18;
	[tilespmem:s15+$0x1830 ss:$0x81] =	vst.msk $0xffff, v3  }
.Ltmp4:
0x3a: {  	_ = 	snop;
	(pc) =	sbr.rel .LBB1_4-.Ltmp4, $1  }
0x3b: {  	_ =	sdelay $0x3  }
.LBB1_6:
0x3c: {  	_ =	sfence.sel $0x180000  }
0x3d: {  	s2 =	simm.s32 $0x1;
	[bflag:$0x0] =	sbarrier.arrive $0xFFFF  }
0x3e: {  	s31 =	simm.s32 $0x2;
	[sflag:s2] =	ssyncpa.u1 $0x1  }
0x3f: {  	[sflag:s31] =	ssyncpa.u1 $0x1  }
0x40: {  	p0 =	sne.s32 s0, $0x0;
	_ =	strace $0x9000004A  }
0x41: {  	s0 =	sadd.s32 @!p0 $0x100000, s1;
	[bflag:$0x2] =	sbarrier.arrive $0xFFFF  }
0x42: {  	[sflag:s0] =	ssyncadd.tile.s32 @!p0 $0x1;
	_ =	shalt  }
.Lfunc_end1:
_tile_overlayer_lowered:
.L_overlay_start_2:
0x43: {  	(tag) =	ssettag $0x2  }
0x44: {  	s0 =	rddreg [dreg:$0x0];
	s2 =	stileid.u32  }
0x45: {  	s1 =	rddreg [dreg:$0x1];
	p0 =	sne.s32 s2, $0x0  }
0x46: {  	s3 =	rddreg [dreg:$0x2];
	[bflag:$0x3] =	sbarrier.arrive $0xFFFF;
	s2 =	simm.s32 @!p0 $0x1C01  }
0x47: {  	[timem:s3], [sflag:s2] =	dma.local @!p0 [hbm:s0], s1  }
0x48: {  	s0 =	simm.s32 @!p0 $0x1  }
0x49: {  	_ =	swait.ge @!p0 [sflag:s0], s1  }
0x4a: {  	s1 =	ssub.s32 @!p0 $0x0, s1;
	[sflag:s0] =	ssyncset.done @!p0 $0x0  }
0x4b: {  	[sflag:s0] =	ssyncadd.s32 @!p0 s1  }
0x4c: {  	[bflag:$0x3] =	sbarrier.arrive $0xFFFF  }
0x4d: {  	_ =	shalt  }

</sc_bundles>
